<compile_context>
chip_gen: v7x
topology: tpu7x:2x2x1
jax: 0.10.2.dev20260603
libtpu: 0.0.44.dev20260713+nightly
codegen_flags: <defaults>
</compile_context>

<pallas_src>
import jax
import jax.numpy as jnp
from jax import lax
from jax.experimental import pallas as pl
from jax.experimental.pallas import tpu as pltpu
from jax.experimental.pallas import tpu_sc as plsc

N = 10000
E = 320000
D = 128
R = 16
B = 4

NC = 2
NS = 16
H = D // NC
CH = 128
NCHUNK = 160
EPAD = NS * NCHUNK * CH
NP = 10240
RPT = NP // NS
NBUF = 2



_MBLK = 1000


def _mm_body(x_ref, w_ref, comp_ref, z_ref, zroot_ref):
    xb = x_ref[...]
    ys = [jnp.dot(xb, w_ref[b], preferred_element_type=jnp.float32,
                  precision=lax.Precision.HIGHEST)
          for b in range(B)]
    zroot_ref[...] = jnp.dot(xb, w_ref[B], preferred_element_type=jnp.float32,
                             precision=lax.Precision.HIGHEST)
    accs = []
    for r in range(R):
        acc = comp_ref[r, 0] * ys[0]
        for b in range(1, B):
            acc = acc + comp_ref[r, b] * ys[b]
        accs.append(acc)
    for h in range(NC):
        for r in range(0, R, 2):
            blkv = jnp.concatenate(
                [accs[r][:, h * H:(h + 1) * H],
                 accs[r + 1][:, h * H:(h + 1) * H]], axis=1)
            z_ref[h, :, r * H:(r + 2) * H] = blkv


def _relation_transform(x, weight, comp):
    grid = (N // _MBLK,)
    return pl.pallas_call(
        _mm_body,
        grid=grid,
        in_specs=[
            pl.BlockSpec((_MBLK, D), lambda i: (i, 0)),
            pl.BlockSpec((B + 1, D, D), lambda i: (0, 0, 0)),
            pl.BlockSpec(memory_space=pltpu.SMEM),
        ],
        out_specs=[
            pl.BlockSpec((NC, _MBLK, R * H), lambda i: (0, i, 0)),
            pl.BlockSpec((_MBLK, D), lambda i: (i, 0)),
        ],
        out_shape=[
            jax.ShapeDtypeStruct((NC, N, R * H), jnp.float32),
            jax.ShapeDtypeStruct((N, D), jnp.float32),
        ],
    )(x, weight, comp)



_EROWS = E // CH
_PROWS = EPAD // CH


def _pad_body(ei_s_ref, ei_d_ref, et_ref, so_ref, do_ref, to_ref):
    i = pl.program_id(0)
    row = i * CH + jax.lax.broadcasted_iota(jnp.int32, (CH, CH), 0)
    col = jax.lax.broadcasted_iota(jnp.int32, (CH, CH), 1)
    valid = row < _EROWS
    trash = N + (row * CH + col) % (NP - N)
    so_ref[...] = jnp.where(valid, ei_s_ref[0], 0)
    do_ref[...] = jnp.where(valid, ei_d_ref[0], trash)
    to_ref[...] = jnp.where(valid, et_ref[...], 0)


def _pad_edges(edge_index, edge_type):
    ei3 = edge_index.reshape(2, _EROWS, CH)
    et2 = edge_type.reshape(_EROWS, CH)
    grid = (_PROWS // CH,)
    return pl.pallas_call(
        _pad_body,
        grid=grid,
        in_specs=[
            pl.BlockSpec((1, CH, CH), lambda i: (0, i, 0)),
            pl.BlockSpec((1, CH, CH), lambda i: (1, i, 0)),
            pl.BlockSpec((CH, CH), lambda i: (i, 0)),
        ],
        out_specs=[
            pl.BlockSpec((CH, CH), lambda i: (i, 0)),
            pl.BlockSpec((CH, CH), lambda i: (i, 0)),
            pl.BlockSpec((CH, CH), lambda i: (i, 0)),
        ],
        out_shape=[
            jax.ShapeDtypeStruct((_PROWS, CH), jnp.int32),
            jax.ShapeDtypeStruct((_PROWS, CH), jnp.int32),
            jax.ShapeDtypeStruct((_PROWS, CH), jnp.int32),
        ],
    )(ei3, ei3, et2)



def _sc_body(zmsg, src3, typ3, dst3, zrows, zdeg, ones,
             out_p, out_d,
             srcb, typb, dstb, b0, b1, onesb,
             acc, dacc,
             sg0, sg1, ss0, ss1, semd):
    bufs = (b0, b1)
    semg = (sg0, sg1)
    sems = (ss0, ss1)
    c = lax.axis_index("c")
    s = lax.axis_index("s")
    cbase = c * (N * R)

    pltpu.sync_copy(zrows, acc.at[pl.ds(s * RPT, RPT)])
    pltpu.sync_copy(zdeg, dacc.at[pl.ds(s * RPT, RPT)])

    pltpu.sync_copy(ones, onesb)
    pltpu.sync_copy(src3.at[s], srcb)
    pltpu.sync_copy(typ3.at[s], typb)
    pltpu.sync_copy(dst3.at[s], dstb)
    plsc.subcore_barrier()

    def cidx(j, carry):
        for k in range(8):
            sl = pl.ds(k * 16, 16)
            srcb[j, sl] = srcb[j, sl] * R + typb[j, sl] + cbase
        return carry
    lax.fori_loop(0, NCHUNK, cidx, 0)

    pltpu.async_copy(zmsg.at[srcb.at[0]], bufs[0], semg[0])

    def step(i, carry):
        for k in range(NBUF):
            j = i * NBUF + k
            buf = bufs[k]
            pltpu.make_async_copy(zmsg.at[srcb.at[j]], buf, semg[k]).wait()

            @pl.when(j + 1 < NCHUNK)
            def _():
                pltpu.async_copy(zmsg.at[srcb.at[(j + 1) % NCHUNK]],
                                 bufs[(k + 1) % NBUF], semg[(k + 1) % NBUF])
            pltpu.sync_copy(buf, acc.at[dstb.at[j]], add=True)

            @pl.when(c == k % NC)
            def _():
                pltpu.sync_copy(onesb, dacc.at[dstb.at[j]], add=True)
        return carry
    lax.fori_loop(0, NCHUNK // NBUF, step, 0)

    plsc.subcore_barrier()
    pltpu.sync_copy(acc.at[pl.ds(s * RPT, RPT)],
                    out_p.at[c].at[pl.ds(s * RPT, RPT)])

    pltpu.sync_copy(dacc.at[pl.ds(s * RPT, RPT)],
                    out_d.at[c].at[pl.ds(s * RPT, RPT)])


def _sc_aggregate(zmsg, src3, typ3, dst3, zrows, zdeg, ones):
    mesh = plsc.VectorSubcoreMesh(core_axis_name="c", subcore_axis_name="s")
    kern = pl.kernel(
        _sc_body,
        out_type=(
            jax.ShapeDtypeStruct((NC, NP, H), jnp.float32),
            jax.ShapeDtypeStruct((NC, NP, 16), jnp.float32),
        ),
        mesh=mesh,
        scratch_types=(
            pltpu.VMEM((NCHUNK, CH), jnp.int32),
            pltpu.VMEM((NCHUNK, CH), jnp.int32),
            pltpu.VMEM((NCHUNK, CH), jnp.int32),
            pltpu.VMEM((CH, H), jnp.float32),
            pltpu.VMEM((CH, H), jnp.float32),
            pltpu.VMEM((CH, 16), jnp.float32),
            pltpu.VMEM_SHARED((NP, H), jnp.float32),
            pltpu.VMEM_SHARED((NP, 16), jnp.float32),
            pltpu.SemaphoreType.DMA,
            pltpu.SemaphoreType.DMA,
            pltpu.SemaphoreType.DMA,
            pltpu.SemaphoreType.DMA,
            pltpu.SemaphoreType.DMA,
        ),
        compiler_params=pltpu.CompilerParams(use_tc_tiling_on_sc=False),
    )
    return kern(zmsg, src3, typ3, dst3, zrows, zdeg, ones)



def _ep_body(p0_ref, p1_ref, d0_ref, d1_ref, zroot_ref, bias_ref, out_ref):
    deg = d0_ref[0, :, 0:1] + d1_ref[0, :, 0:1]
    inv = 1.0 / jnp.maximum(deg, 1.0)
    msg = jnp.concatenate([p0_ref[0], p1_ref[0]], axis=1)
    out_ref[...] = msg * inv + zroot_ref[...] + bias_ref[...]


def _epilogue(partials, degp, zroot, bias2d):
    blk = 1000
    grid = (N // blk,)
    return pl.pallas_call(
        _ep_body,
        grid=grid,
        in_specs=[
            pl.BlockSpec((1, blk, H), lambda i: (0, i, 0)),
            pl.BlockSpec((1, blk, H), lambda i: (1, i, 0)),
            pl.BlockSpec((1, blk, 16), lambda i: (0, i, 0)),
            pl.BlockSpec((1, blk, 16), lambda i: (1, i, 0)),
            pl.BlockSpec((blk, D), lambda i: (i, 0)),
            pl.BlockSpec((1, D), lambda i: (0, 0)),
        ],
        out_specs=pl.BlockSpec((blk, D), lambda i: (i, 0)),
        out_shape=jax.ShapeDtypeStruct((N, D), jnp.float32),
    )(partials, partials, degp, degp, zroot, bias2d)



@jax.jit
def kernel(x, edge_index, edge_type, weight, comp, bias):
    z2, zroot = _relation_transform(x, weight, comp)
    zmsg = z2.reshape(NC * N * R, H)

    src3_, dst3_, typ3_ = _pad_edges(edge_index, edge_type)
    src3 = src3_.reshape(NS, NCHUNK, CH)
    dst3 = dst3_.reshape(NS, NCHUNK, CH)
    typ3 = typ3_.reshape(NS, NCHUNK, CH)

    zrows = jnp.zeros((RPT, H), jnp.float32)
    zdeg = jnp.zeros((RPT, 16), jnp.float32)
    ones = jnp.ones((CH, 16), jnp.float32)

    partials, degp = _sc_aggregate(zmsg, src3, typ3, dst3, zrows, zdeg, ones)

    return _epilogue(partials, degp, zroot, bias.reshape(1, D))

# --- scband reference (transcript-rebuilt; emitter-appended) ---
"""Pipeline reference for scband-rgcnconv-cu-graph-57183194579675 (READ-ONLY COPY).

The authoritative reference and input builder live on the scoring server;
editing this copy changes nothing except your own understanding.
"""

import jax, jax.numpy as jnp
import numpy as np

N = 10000   # num nodes
E = 320000  # num edges
D = 128     # in_channels == out_channels
R = 16      # num_relations
B = 4       # num_bases


def setup_inputs(seed: int = 0) -> dict:
    key = jax.random.key(seed)
    k1, k2, k3, k4, k5 = jax.random.split(key, 5)
    x = jax.random.normal(k1, (N, D), dtype=jnp.float32)
    edge_index = jax.random.randint(k2, (2, E), 0, N, dtype=jnp.int32)
    edge_type = jax.random.randint(k3, (E,), 0, R, dtype=jnp.int32)
    # Basis-decomposition parameters (glorot-style init):
    # weight: (num_bases + 1, in, out), root transform stored in the trailing slot
    weight = jax.random.normal(k4, (B + 1, D, D), dtype=jnp.float32) * jnp.sqrt(2.0 / (D + D))
    comp = jax.random.normal(k5, (R, B), dtype=jnp.float32) * jnp.sqrt(2.0 / (R + B))
    bias = jnp.zeros((D,), dtype=jnp.float32)
    return {"x": x, "edge_index": edge_index, "edge_type": edge_type,
            "weight": weight, "comp": comp, "bias": bias}


def reference(x, edge_index, edge_type, weight, comp, bias):
    # RGCN with basis decomposition, mean aggregation over incoming neighbors.
    # Messages flow src = edge_index[0] -> dst = edge_index[1] (CSC over dst).
    src = edge_index[0]
    dst = edge_index[1]
    coef = comp[edge_type]          # [E, B] per-edge basis coefficients
    msgs = x[src]                   # [E, D] gathered source features
    # in-degree for mean normalization (aggr='mean')
    deg = jnp.zeros((N,), jnp.float32).at[dst].add(1.0)
    deg = jnp.maximum(deg, 1.0)
    aggs = []
    for b in range(B):
        wb = coef[:, b:b + 1] * msgs                       # [E, D]
        aggs.append(jax.ops.segment_sum(wb, dst, num_segments=N))  # [N, D]
    agg = jnp.concatenate(aggs, axis=1) / deg[:, None]     # [N, B*D]
    # concat own (root) features; root weight occupies the last slot of `weight`
    h = jnp.concatenate([agg, x], axis=1)                  # [N, (B+1)*D]
    out = h @ weight.reshape(-1, D) + bias                 # [N, D]
    return out

if __name__ == "__main__":
    import jax
    _d = setup_inputs()
    print(jax.jit(kernel)(*tuple(_d.values())))

</pallas_src>

<mosaic_0001>
#map = affine_map<(d0, d1) -> (0, 0)>
#map1 = affine_map<(d0, d1) -> (0, 0, 0)>
module attributes {stable_mosaic.version = 14 : i64} {
  func.func @_sc_body(%arg0: i32, %arg1: i32, %arg2: memref<320000x64xf32, #tpu.memory_space<hbm>>, %arg3: memref<16x160x128xi32, #tpu.memory_space<hbm>>, %arg4: memref<16x160x128xi32, #tpu.memory_space<hbm>>, %arg5: memref<16x160x128xi32, #tpu.memory_space<hbm>>, %arg6: memref<640x64xf32, #tpu.memory_space<hbm>>, %arg7: memref<640x16xf32, #tpu.memory_space<hbm>>, %arg8: memref<128x16xf32, #tpu.memory_space<hbm>>, %arg9: memref<2x10240x64xf32, #tpu.memory_space<hbm>>, %arg10: memref<2x10240x16xf32, #tpu.memory_space<hbm>>, %arg11: memref<160x128xi32, #tpu.memory_space<vmem>>, %arg12: memref<160x128xi32, #tpu.memory_space<vmem>>, %arg13: memref<160x128xi32, #tpu.memory_space<vmem>>, %arg14: memref<128x64xf32, #tpu.memory_space<vmem>>, %arg15: memref<128x64xf32, #tpu.memory_space<vmem>>, %arg16: memref<128x16xf32, #tpu.memory_space<vmem>>, %arg17: memref<10240x64xf32, #tpu.memory_space<vmem_shared>>, %arg18: memref<10240x16xf32, #tpu.memory_space<vmem_shared>>, %arg19: memref<!tpu.dma_semaphore, #tpu.memory_space<semaphore_mem>>, %arg20: memref<!tpu.dma_semaphore, #tpu.memory_space<semaphore_mem>>, %arg21: memref<!tpu.dma_semaphore, #tpu.memory_space<semaphore_mem>>, %arg22: memref<!tpu.dma_semaphore, #tpu.memory_space<semaphore_mem>>, %arg23: memref<!tpu.dma_semaphore, #tpu.memory_space<semaphore_mem>>) attributes {dimension_semantics = [#tpu.dimension_semantics<core_parallel>, #tpu.dimension_semantics<subcore_parallel>], iteration_bounds = array<i64: 2, 16>, scalar_prefetch = 0 : i64, scratch_operands = 13 : i64, tpu.core_type = #tpu.core_type<sc_vector_subcore>, window_params = [{transform_indices = #map}, {transform_indices = #map1}, {transform_indices = #map1}, {transform_indices = #map1}, {transform_indices = #map}, {transform_indices = #map}, {transform_indices = #map}, {transform_indices = #map1}, {transform_indices = #map1}]} {
    %mul3A = arith.constant 160000 : i32
    %mul3A_0 = arith.muli %arg0, %mul3A : i32
    %mul3A_1 = arith.constant 640 : i32
    %mul3A_2 = arith.muli %arg1, %mul3A_1 : i32
    "tpu.region"() ({
      %run_scoped3A = tpu.sem_alloc : memref<!tpu.dma_semaphore, #tpu.memory_space<semaphore_mem>>
      %dma_start3A_31 = arith.constant 0 : i32
      %dma_start3A_32 = tpu.memref_slice %arg17[%mul3A_2, %dma_start3A_31] : memref<10240x64xf32, #tpu.memory_space<vmem_shared>> -> memref<640x64xf32, #tpu.memory_space<vmem_shared>>
      tpu.enqueue_dma source(%arg6 : memref<640x64xf32, #tpu.memory_space<hbm>>) target(%dma_start3A_32 : memref<640x64xf32, #tpu.memory_space<vmem_shared>>) target_semaphore(%run_scoped3A : memref<!tpu.dma_semaphore, #tpu.memory_space<semaphore_mem>>)
      %dma_wait3A = arith.constant 0 : i32
      %dma_wait3A_33 = tpu.memref_slice %arg17[%mul3A_2, %dma_wait3A] : memref<10240x64xf32, #tpu.memory_space<vmem_shared>> -> memref<640x64xf32, #tpu.memory_space<vmem_shared>>
      tpu.wait_dma2 semaphore(%run_scoped3A : memref<!tpu.dma_semaphore, #tpu.memory_space<semaphore_mem>>) src(%arg6 : memref<640x64xf32, #tpu.memory_space<hbm>>) dst(%dma_wait3A_33 : memref<640x64xf32, #tpu.memory_space<vmem_shared>>)
      tpu.yield
    }) : () -> ()
    %mul3A_3 = arith.constant 640 : i32
    %mul3A_4 = arith.muli %arg1, %mul3A_3 : i32
    "tpu.region"() ({
      %run_scoped3A = tpu.sem_alloc : memref<!tpu.dma_semaphore, #tpu.memory_space<semaphore_mem>>
      %dma_start3A_31 = arith.constant 0 : i32
      %dma_start3A_32 = tpu.memref_slice %arg18[%mul3A_4, %dma_start3A_31] : memref<10240x16xf32, #tpu.memory_space<vmem_shared>> -> memref<640x16xf32, #tpu.memory_space<vmem_shared>>
      tpu.enqueue_dma source(%arg7 : memref<640x16xf32, #tpu.memory_space<hbm>>) target(%dma_start3A_32 : memref<640x16xf32, #tpu.memory_space<vmem_shared>>) target_semaphore(%run_scoped3A : memref<!tpu.dma_semaphore, #tpu.memory_space<semaphore_mem>>)
      %dma_wait3A = arith.constant 0 : i32
      %dma_wait3A_33 = tpu.memref_slice %arg18[%mul3A_4, %dma_wait3A] : memref<10240x16xf32, #tpu.memory_space<vmem_shared>> -> memref<640x16xf32, #tpu.memory_space<vmem_shared>>
      tpu.wait_dma2 semaphore(%run_scoped3A : memref<!tpu.dma_semaphore, #tpu.memory_space<semaphore_mem>>) src(%arg7 : memref<640x16xf32, #tpu.memory_space<hbm>>) dst(%dma_wait3A_33 : memref<640x16xf32, #tpu.memory_space<vmem_shared>>)
      tpu.yield
    }) : () -> ()
    "tpu.region"() ({
      %run_scoped3A = tpu.sem_alloc : memref<!tpu.dma_semaphore, #tpu.memory_space<semaphore_mem>>
      tpu.enqueue_dma source(%arg8 : memref<128x16xf32, #tpu.memory_space<hbm>>) target(%arg16 : memref<128x16xf32, #tpu.memory_space<vmem>>) target_semaphore(%run_scoped3A : memref<!tpu.dma_semaphore, #tpu.memory_space<semaphore_mem>>)
      tpu.wait_dma2 semaphore(%run_scoped3A : memref<!tpu.dma_semaphore, #tpu.memory_space<semaphore_mem>>) src(%arg8 : memref<128x16xf32, #tpu.memory_space<hbm>>) dst(%arg16 : memref<128x16xf32, #tpu.memory_space<vmem>>)
      tpu.yield
    }) : () -> ()
    "tpu.region"() ({
      %run_scoped3A = tpu.sem_alloc : memref<!tpu.dma_semaphore, #tpu.memory_space<semaphore_mem>>
      %dma_start3A_31 = arith.constant 0 : i32
      %dma_start3A_32 = arith.constant 0 : i32
      %dma_start3A_33 = tpu.memref_slice %arg3[%arg1, %dma_start3A_31, %dma_start3A_32] : memref<16x160x128xi32, #tpu.memory_space<hbm>> -> memref<1x160x128xi32, #tpu.memory_space<hbm>>
      %dma_start3A_34 = tpu.memref_squeeze %dma_start3A_33 : memref<1x160x128xi32, #tpu.memory_space<hbm>> -> memref<160x128xi32, #tpu.memory_space<hbm>>
      %dma_start3A_35 = arith.constant 0 : i32
      %dma_start3A_36 = arith.constant 0 : i32
      %dma_start3A_37 = tpu.memref_slice %arg3[%arg1, %dma_start3A_35, %dma_start3A_36] : memref<16x160x128xi32, #tpu.memory_space<hbm>> -> memref<1x160x128xi32, #tpu.memory_space<hbm>>
      %dma_start3A_38 = tpu.memref_squeeze %dma_start3A_37 : memref<1x160x128xi32, #tpu.memory_space<hbm>> -> memref<160x128xi32, #tpu.memory_space<hbm>>
      tpu.enqueue_dma source(%dma_start3A_38 : memref<160x128xi32, #tpu.memory_space<hbm>>) target(%arg11 : memref<160x128xi32, #tpu.memory_space<vmem>>) target_semaphore(%run_scoped3A : memref<!tpu.dma_semaphore, #tpu.memory_space<semaphore_mem>>)
      %dma_wait3A = arith.constant 0 : i32
      %dma_wait3A_39 = arith.constant 0 : i32
      %dma_wait3A_40 = tpu.memref_slice %arg3[%arg1, %dma_wait3A, %dma_wait3A_39] : memref<16x160x128xi32, #tpu.memory_space<hbm>> -> memref<1x160x128xi32, #tpu.memory_space<hbm>>
      %dma_wait3A_41 = tpu.memref_squeeze %dma_wait3A_40 : memref<1x160x128xi32, #tpu.memory_space<hbm>> -> memref<160x128xi32, #tpu.memory_space<hbm>>
      %dma_wait3A_42 = arith.constant 0 : i32
      %dma_wait3A_43 = arith.constant 0 : i32
      %dma_wait3A_44 = tpu.memref_slice %arg3[%arg1, %dma_wait3A_42, %dma_wait3A_43] : memref<16x160x128xi32, #tpu.memory_space<hbm>> -> memref<1x160x128xi32, #tpu.memory_space<hbm>>
      %dma_wait3A_45 = tpu.memref_squeeze %dma_wait3A_44 : memref<1x160x128xi32, #tpu.memory_space<hbm>> -> memref<160x128xi32, #tpu.memory_space<hbm>>
      tpu.wait_dma2 semaphore(%run_scoped3A : memref<!tpu.dma_semaphore, #tpu.memory_space<semaphore_mem>>) src(%dma_wait3A_45 : memref<160x128xi32, #tpu.memory_space<hbm>>) dst(%arg11 : memref<160x128xi32, #tpu.memory_space<vmem>>)
      tpu.yield
    }) : () -> ()
    "tpu.region"() ({
      %run_scoped3A = tpu.sem_alloc : memref<!tpu.dma_semaphore, #tpu.memory_space<semaphore_mem>>
      %dma_start3A_31 = arith.constant 0 : i32
      %dma_start3A_32 = arith.constant 0 : i32
      %dma_start3A_33 = tpu.memref_slice %arg4[%arg1, %dma_start3A_31, %dma_start3A_32] : memref<16x160x128xi32, #tpu.memory_space<hbm>> -> memref<1x160x128xi32, #tpu.memory_space<hbm>>
      %dma_start3A_34 = tpu.memref_squeeze %dma_start3A_33 : memref<1x160x128xi32, #tpu.memory_space<hbm>> -> memref<160x128xi32, #tpu.memory_space<hbm>>
      %dma_start3A_35 = arith.constant 0 : i32
      %dma_start3A_36 = arith.constant 0 : i32
      %dma_start3A_37 = tpu.memref_slice %arg4[%arg1, %dma_start3A_35, %dma_start3A_36] : memref<16x160x128xi32, #tpu.memory_space<hbm>> -> memref<1x160x128xi32, #tpu.memory_space<hbm>>
      %dma_start3A_38 = tpu.memref_squeeze %dma_start3A_37 : memref<1x160x128xi32, #tpu.memory_space<hbm>> -> memref<160x128xi32, #tpu.memory_space<hbm>>
      tpu.enqueue_dma source(%dma_start3A_38 : memref<160x128xi32, #tpu.memory_space<hbm>>) target(%arg12 : memref<160x128xi32, #tpu.memory_space<vmem>>) target_semaphore(%run_scoped3A : memref<!tpu.dma_semaphore, #tpu.memory_space<semaphore_mem>>)
      %dma_wait3A = arith.constant 0 : i32
      %dma_wait3A_39 = arith.constant 0 : i32
      %dma_wait3A_40 = tpu.memref_slice %arg4[%arg1, %dma_wait3A, %dma_wait3A_39] : memref<16x160x128xi32, #tpu.memory_space<hbm>> -> memref<1x160x128xi32, #tpu.memory_space<hbm>>
      %dma_wait3A_41 = tpu.memref_squeeze %dma_wait3A_40 : memref<1x160x128xi32, #tpu.memory_space<hbm>> -> memref<160x128xi32, #tpu.memory_space<hbm>>
      %dma_wait3A_42 = arith.constant 0 : i32
      %dma_wait3A_43 = arith.constant 0 : i32
      %dma_wait3A_44 = tpu.memref_slice %arg4[%arg1, %dma_wait3A_42, %dma_wait3A_43] : memref<16x160x128xi32, #tpu.memory_space<hbm>> -> memref<1x160x128xi32, #tpu.memory_space<hbm>>
      %dma_wait3A_45 = tpu.memref_squeeze %dma_wait3A_44 : memref<1x160x128xi32, #tpu.memory_space<hbm>> -> memref<160x128xi32, #tpu.memory_space<hbm>>
      tpu.wait_dma2 semaphore(%run_scoped3A : memref<!tpu.dma_semaphore, #tpu.memory_space<semaphore_mem>>) src(%dma_wait3A_45 : memref<160x128xi32, #tpu.memory_space<hbm>>) dst(%arg12 : memref<160x128xi32, #tpu.memory_space<vmem>>)
      tpu.yield
    }) : () -> ()
    "tpu.region"() ({
      %run_scoped3A = tpu.sem_alloc : memref<!tpu.dma_semaphore, #tpu.memory_space<semaphore_mem>>
      %dma_start3A_31 = arith.constant 0 : i32
      %dma_start3A_32 = arith.constant 0 : i32
      %dma_start3A_33 = tpu.memref_slice %arg5[%arg1, %dma_start3A_31, %dma_start3A_32] : memref<16x160x128xi32, #tpu.memory_space<hbm>> -> memref<1x160x128xi32, #tpu.memory_space<hbm>>
      %dma_start3A_34 = tpu.memref_squeeze %dma_start3A_33 : memref<1x160x128xi32, #tpu.memory_space<hbm>> -> memref<160x128xi32, #tpu.memory_space<hbm>>
      %dma_start3A_35 = arith.constant 0 : i32
      %dma_start3A_36 = arith.constant 0 : i32
      %dma_start3A_37 = tpu.memref_slice %arg5[%arg1, %dma_start3A_35, %dma_start3A_36] : memref<16x160x128xi32, #tpu.memory_space<hbm>> -> memref<1x160x128xi32, #tpu.memory_space<hbm>>
      %dma_start3A_38 = tpu.memref_squeeze %dma_start3A_37 : memref<1x160x128xi32, #tpu.memory_space<hbm>> -> memref<160x128xi32, #tpu.memory_space<hbm>>
      tpu.enqueue_dma source(%dma_start3A_38 : memref<160x128xi32, #tpu.memory_space<hbm>>) target(%arg13 : memref<160x128xi32, #tpu.memory_space<vmem>>) target_semaphore(%run_scoped3A : memref<!tpu.dma_semaphore, #tpu.memory_space<semaphore_mem>>)
      %dma_wait3A = arith.constant 0 : i32
      %dma_wait3A_39 = arith.constant 0 : i32
      %dma_wait3A_40 = tpu.memref_slice %arg5[%arg1, %dma_wait3A, %dma_wait3A_39] : memref<16x160x128xi32, #tpu.memory_space<hbm>> -> memref<1x160x128xi32, #tpu.memory_space<hbm>>
      %dma_wait3A_41 = tpu.memref_squeeze %dma_wait3A_40 : memref<1x160x128xi32, #tpu.memory_space<hbm>> -> memref<160x128xi32, #tpu.memory_space<hbm>>
      %dma_wait3A_42 = arith.constant 0 : i32
      %dma_wait3A_43 = arith.constant 0 : i32
      %dma_wait3A_44 = tpu.memref_slice %arg5[%arg1, %dma_wait3A_42, %dma_wait3A_43] : memref<16x160x128xi32, #tpu.memory_space<hbm>> -> memref<1x160x128xi32, #tpu.memory_space<hbm>>
      %dma_wait3A_45 = tpu.memref_squeeze %dma_wait3A_44 : memref<1x160x128xi32, #tpu.memory_space<hbm>> -> memref<160x128xi32, #tpu.memory_space<hbm>>
      tpu.wait_dma2 semaphore(%run_scoped3A : memref<!tpu.dma_semaphore, #tpu.memory_space<semaphore_mem>>) src(%dma_wait3A_45 : memref<160x128xi32, #tpu.memory_space<hbm>>) dst(%arg13 : memref<160x128xi32, #tpu.memory_space<vmem>>)
      tpu.yield
    }) : () -> ()
    %barrier3A = arith.constant 0 : index
    tpu.barrier barrier_id(%barrier3A)
    %scan3A = arith.constant 0 : i32
    %scan3A_5 = arith.constant 0 : i32
    %scan3A_6 = arith.constant 160 : i32
    %scan3A_7 = arith.addi %scan3A_5, %scan3A_6 : i32
    %scan3A_8 = arith.constant 1 : i32
    scf.for %scan3A_31 = %scan3A_5 to %scan3A_7 step %scan3A_8  : i32 {
      %get3A = arith.index_cast %scan3A_31 : i32 to index
      %get3A_32 = arith.constant 0 : index
      %get3A_33 = tpu.vector_load %arg11[%get3A, %get3A_32] {strides = array<i32>} : memref<160x128xi32, #tpu.memory_space<vmem>>, vector<1x16xi32>,
      %get3A_34 = vector.shape_cast %get3A_33 : vector<1x16xi32> to vector<16xi32>
      %mul3A_35 = arith.constant 16 : i32
      %mul3A_36 = vector.broadcast %mul3A_35 : i32 to vector<16xi32>
      %mul3A_37 = arith.muli %get3A_34, %mul3A_36 : vector<16xi32>
      %get3A_38 = arith.index_cast %scan3A_31 : i32 to index
      %get3A_39 = arith.constant 0 : index
      %get3A_40 = tpu.vector_load %arg12[%get3A_38, %get3A_39] {strides = array<i32>} : memref<160x128xi32, #tpu.memory_space<vmem>>, vector<1x16xi32>,
      %get3A_41 = vector.shape_cast %get3A_40 : vector<1x16xi32> to vector<16xi32>
      %add3A = arith.addi %mul3A_37, %get3A_41 : vector<16xi32>
      %add3A_42 = vector.broadcast %mul3A_0 : i32 to vector<16xi32>
      %add3A_43 = arith.addi %add3A, %add3A_42 : vector<16xi32>
      %swap3A = arith.index_cast %scan3A_31 : i32 to index
      %swap3A_44 = arith.constant 0 : index
      %swap3A_45 = tpu.vector_load %arg11[%swap3A, %swap3A_44] {strides = array<i32>} : memref<160x128xi32, #tpu.memory_space<vmem>>, vector<1x16xi32>,
      %swap3A_46 = vector.shape_cast %swap3A_45 : vector<1x16xi32> to vector<16xi32>
      %swap3A_47 = vector.shape_cast %add3A_43 : vector<16xi32> to vector<1x16xi32>
      tpu.vector_store %arg11[%swap3A, %swap3A_44], %swap3A_47 {strides = array<i32>} : memref<160x128xi32, #tpu.memory_space<vmem>>, vector<1x16xi32>,
      %get3A_48 = arith.index_cast %scan3A_31 : i32 to index
      %get3A_49 = arith.constant 16 : index
      %get3A_50 = tpu.vector_load %arg11[%get3A_48, %get3A_49] {strides = array<i32>} : memref<160x128xi32, #tpu.memory_space<vmem>>, vector<1x16xi32>,
      %get3A_51 = vector.shape_cast %get3A_50 : vector<1x16xi32> to vector<16xi32>
      %mul3A_52 = arith.constant 16 : i32
      %mul3A_53 = vector.broadcast %mul3A_52 : i32 to vector<16xi32>
      %mul3A_54 = arith.muli %get3A_51, %mul3A_53 : vector<16xi32>
      %get3A_55 = arith.index_cast %scan3A_31 : i32 to index
      %get3A_56 = arith.constant 16 : index
      %get3A_57 = tpu.vector_load %arg12[%get3A_55, %get3A_56] {strides = array<i32>} : memref<160x128xi32, #tpu.memory_space<vmem>>, vector<1x16xi32>,
      %get3A_58 = vector.shape_cast %get3A_57 : vector<1x16xi32> to vector<16xi32>
      %add3A_59 = arith.addi %mul3A_54, %get3A_58 : vector<16xi32>
      %add3A_60 = vector.broadcast %mul3A_0 : i32 to vector<16xi32>
      %add3A_61 = arith.addi %add3A_59, %add3A_60 : vector<16xi32>
      %swap3A_62 = arith.index_cast %scan3A_31 : i32 to index
      %swap3A_63 = arith.constant 16 : index
      %swap3A_64 = tpu.vector_load %arg11[%swap3A_62, %swap3A_63] {strides = array<i32>} : memref<160x128xi32, #tpu.memory_space<vmem>>, vector<1x16xi32>,
      %swap3A_65 = vector.shape_cast %swap3A_64 : vector<1x16xi32> to vector<16xi32>
      %swap3A_66 = vector.shape_cast %add3A_61 : vector<16xi32> to vector<1x16xi32>
      tpu.vector_store %arg11[%swap3A_62, %swap3A_63], %swap3A_66 {strides = array<i32>} : memref<160x128xi32, #tpu.memory_space<vmem>>, vector<1x16xi32>,
      %get3A_67 = arith.index_cast %scan3A_31 : i32 to index
      %get3A_68 = arith.constant 32 : index
      %get3A_69 = tpu.vector_load %arg11[%get3A_67, %get3A_68] {strides = array<i32>} : memref<160x128xi32, #tpu.memory_space<vmem>>, vector<1x16xi32>,
      %get3A_70 = vector.shape_cast %get3A_69 : vector<1x16xi32> to vector<16xi32>
      %mul3A_71 = arith.constant 16 : i32
      %mul3A_72 = vector.broadcast %mul3A_71 : i32 to vector<16xi32>
      %mul3A_73 = arith.muli %get3A_70, %mul3A_72 : vector<16xi32>
      %get3A_74 = arith.index_cast %scan3A_31 : i32 to index
      %get3A_75 = arith.constant 32 : index
      %get3A_76 = tpu.vector_load %arg12[%get3A_74, %get3A_75] {strides = array<i32>} : memref<160x128xi32, #tpu.memory_space<vmem>>, vector<1x16xi32>,
      %get3A_77 = vector.shape_cast %get3A_76 : vector<1x16xi32> to vector<16xi32>
      %add3A_78 = arith.addi %mul3A_73, %get3A_77 : vector<16xi32>
      %add3A_79 = vector.broadcast %mul3A_0 : i32 to vector<16xi32>
      %add3A_80 = arith.addi %add3A_78, %add3A_79 : vector<16xi32>
      %swap3A_81 = arith.index_cast %scan3A_31 : i32 to index
      %swap3A_82 = arith.constant 32 : index
      %swap3A_83 = tpu.vector_load %arg11[%swap3A_81, %swap3A_82] {strides = array<i32>} : memref<160x128xi32, #tpu.memory_space<vmem>>, vector<1x16xi32>,
      %swap3A_84 = vector.shape_cast %swap3A_83 : vector<1x16xi32> to vector<16xi32>
      %swap3A_85 = vector.shape_cast %add3A_80 : vector<16xi32> to vector<1x16xi32>
      tpu.vector_store %arg11[%swap3A_81, %swap3A_82], %swap3A_85 {strides = array<i32>} : memref<160x128xi32, #tpu.memory_space<vmem>>, vector<1x16xi32>,
      %get3A_86 = arith.index_cast %scan3A_31 : i32 to index
      %get3A_87 = arith.constant 48 : index
      %get3A_88 = tpu.vector_load %arg11[%get3A_86, %get3A_87] {strides = array<i32>} : memref<160x128xi32, #tpu.memory_space<vmem>>, vector<1x16xi32>,
      %get3A_89 = vector.shape_cast %get3A_88 : vector<1x16xi32> to vector<16xi32>
      %mul3A_90 = arith.constant 16 : i32
      %mul3A_91 = vector.broadcast %mul3A_90 : i32 to vector<16xi32>
      %mul3A_92 = arith.muli %get3A_89, %mul3A_91 : vector<16xi32>
      %get3A_93 = arith.index_cast %scan3A_31 : i32 to index
      %get3A_94 = arith.constant 48 : index
      %get3A_95 = tpu.vector_load %arg12[%get3A_93, %get3A_94] {strides = array<i32>} : memref<160x128xi32, #tpu.memory_space<vmem>>, vector<1x16xi32>,
      %get3A_96 = vector.shape_cast %get3A_95 : vector<1x16xi32> to vector<16xi32>
      %add3A_97 = arith.addi %mul3A_92, %get3A_96 : vector<16xi32>
      %add3A_98 = vector.broadcast %mul3A_0 : i32 to vector<16xi32>
      %add3A_99 = arith.addi %add3A_97, %add3A_98 : vector<16xi32>
      %swap3A_100 = arith.index_cast %scan3A_31 : i32 to index
      %swap3A_101 = arith.constant 48 : index
      %swap3A_102 = tpu.vector_load %arg11[%swap3A_100, %swap3A_101] {strides = array<i32>} : memref<160x128xi32, #tpu.memory_space<vmem>>, vector<1x16xi32>,
      %swap3A_103 = vector.shape_cast %swap3A_102 : vector<1x16xi32> to vector<16xi32>
      %swap3A_104 = vector.shape_cast %add3A_99 : vector<16xi32> to vector<1x16xi32>
      tpu.vector_store %arg11[%swap3A_100, %swap3A_101], %swap3A_104 {strides = array<i32>} : memref<160x128xi32, #tpu.memory_space<vmem>>, vector<1x16xi32>,
      %get3A_105 = arith.index_cast %scan3A_31 : i32 to index
      %get3A_106 = arith.constant 64 : index
      %get3A_107 = tpu.vector_load %arg11[%get3A_105, %get3A_106] {strides = array<i32>} : memref<160x128xi32, #tpu.memory_space<vmem>>, vector<1x16xi32>,
      %get3A_108 = vector.shape_cast %get3A_107 : vector<1x16xi32> to vector<16xi32>
      %mul3A_109 = arith.constant 16 : i32
      %mul3A_110 = vector.broadcast %mul3A_109 : i32 to vector<16xi32>
      %mul3A_111 = arith.muli %get3A_108, %mul3A_110 : vector<16xi32>
      %get3A_112 = arith.index_cast %scan3A_31 : i32 to index
      %get3A_113 = arith.constant 64 : index
      %get3A_114 = tpu.vector_load %arg12[%get3A_112, %get3A_113] {strides = array<i32>} : memref<160x128xi32, #tpu.memory_space<vmem>>, vector<1x16xi32>,
      %get3A_115 = vector.shape_cast %get3A_114 : vector<1x16xi32> to vector<16xi32>
      %add3A_116 = arith.addi %mul3A_111, %get3A_115 : vector<16xi32>
      %add3A_117 = vector.broadcast %mul3A_0 : i32 to vector<16xi32>
      %add3A_118 = arith.addi %add3A_116, %add3A_117 : vector<16xi32>
      %swap3A_119 = arith.index_cast %scan3A_31 : i32 to index
      %swap3A_120 = arith.constant 64 : index
      %swap3A_121 = tpu.vector_load %arg11[%swap3A_119, %swap3A_120] {strides = array<i32>} : memref<160x128xi32, #tpu.memory_space<vmem>>, vector<1x16xi32>,
      %swap3A_122 = vector.shape_cast %swap3A_121 : vector<1x16xi32> to vector<16xi32>
      %swap3A_123 = vector.shape_cast %add3A_118 : vector<16xi32> to vector<1x16xi32>
      tpu.vector_store %arg11[%swap3A_119, %swap3A_120], %swap3A_123 {strides = array<i32>} : memref<160x128xi32, #tpu.memory_space<vmem>>, vector<1x16xi32>,
      %get3A_124 = arith.index_cast %scan3A_31 : i32 to index
      %get3A_125 = arith.constant 80 : index
      %get3A_126 = tpu.vector_load %arg11[%get3A_124, %get3A_125] {strides = array<i32>} : memref<160x128xi32, #tpu.memory_space<vmem>>, vector<1x16xi32>,
      %get3A_127 = vector.shape_cast %get3A_126 : vector<1x16xi32> to vector<16xi32>
      %mul3A_128 = arith.constant 16 : i32
      %mul3A_129 = vector.broadcast %mul3A_128 : i32 to vector<16xi32>
      %mul3A_130 = arith.muli %get3A_127, %mul3A_129 : vector<16xi32>
      %get3A_131 = arith.index_cast %scan3A_31 : i32 to index
      %get3A_132 = arith.constant 80 : index
      %get3A_133 = tpu.vector_load %arg12[%get3A_131, %get3A_132] {strides = array<i32>} : memref<160x128xi32, #tpu.memory_space<vmem>>, vector<1x16xi32>,
      %get3A_134 = vector.shape_cast %get3A_133 : vector<1x16xi32> to vector<16xi32>
      %add3A_135 = arith.addi %mul3A_130, %get3A_134 : vector<16xi32>
      %add3A_136 = vector.broadcast %mul3A_0 : i32 to vector<16xi32>
      %add3A_137 = arith.addi %add3A_135, %add3A_136 : vector<16xi32>
      %swap3A_138 = arith.index_cast %scan3A_31 : i32 to index
      %swap3A_139 = arith.constant 80 : index
      %swap3A_140 = tpu.vector_load %arg11[%swap3A_138, %swap3A_139] {strides = array<i32>} : memref<160x128xi32, #tpu.memory_space<vmem>>, vector<1x16xi32>,
      %swap3A_141 = vector.shape_cast %swap3A_140 : vector<1x16xi32> to vector<16xi32>
      %swap3A_142 = vector.shape_cast %add3A_137 : vector<16xi32> to vector<1x16xi32>
      tpu.vector_store %arg11[%swap3A_138, %swap3A_139], %swap3A_142 {strides = array<i32>} : memref<160x128xi32, #tpu.memory_space<vmem>>, vector<1x16xi32>,
      %get3A_143 = arith.index_cast %scan3A_31 : i32 to index
      %get3A_144 = arith.constant 96 : index
      %get3A_145 = tpu.vector_load %arg11[%get3A_143, %get3A_144] {strides = array<i32>} : memref<160x128xi32, #tpu.memory_space<vmem>>, vector<1x16xi32>,
      %get3A_146 = vector.shape_cast %get3A_145 : vector<1x16xi32> to vector<16xi32>
      %mul3A_147 = arith.constant 16 : i32
      %mul3A_148 = vector.broadcast %mul3A_147 : i32 to vector<16xi32>
      %mul3A_149 = arith.muli %get3A_146, %mul3A_148 : vector<16xi32>
      %get3A_150 = arith.index_cast %scan3A_31 : i32 to index
      %get3A_151 = arith.constant 96 : index
      %get3A_152 = tpu.vector_load %arg12[%get3A_150, %get3A_151] {strides = array<i32>} : memref<160x128xi32, #tpu.memory_space<vmem>>, vector<1x16xi32>,
      %get3A_153 = vector.shape_cast %get3A_152 : vector<1x16xi32> to vector<16xi32>
      %add3A_154 = arith.addi %mul3A_149, %get3A_153 : vector<16xi32>
      %add3A_155 = vector.broadcast %mul3A_0 : i32 to vector<16xi32>
      %add3A_156 = arith.addi %add3A_154, %add3A_155 : vector<16xi32>
      %swap3A_157 = arith.index_cast %scan3A_31 : i32 to index
      %swap3A_158 = arith.constant 96 : index
      %swap3A_159 = tpu.vector_load %arg11[%swap3A_157, %swap3A_158] {strides = array<i32>} : memref<160x128xi32, #tpu.memory_space<vmem>>, vector<1x16xi32>,
      %swap3A_160 = vector.shape_cast %swap3A_159 : vector<1x16xi32> to vector<16xi32>
      %swap3A_161 = vector.shape_cast %add3A_156 : vector<16xi32> to vector<1x16xi32>
      tpu.vector_store %arg11[%swap3A_157, %swap3A_158], %swap3A_161 {strides = array<i32>} : memref<160x128xi32, #tpu.memory_space<vmem>>, vector<1x16xi32>,
      %get3A_162 = arith.index_cast %scan3A_31 : i32 to index
      %get3A_163 = arith.constant 112 : index
      %get3A_164 = tpu.vector_load %arg11[%get3A_162, %get3A_163] {strides = array<i32>} : memref<160x128xi32, #tpu.memory_space<vmem>>, vector<1x16xi32>,
      %get3A_165 = vector.shape_cast %get3A_164 : vector<1x16xi32> to vector<16xi32>
      %mul3A_166 = arith.constant 16 : i32
      %mul3A_167 = vector.broadcast %mul3A_166 : i32 to vector<16xi32>
      %mul3A_168 = arith.muli %get3A_165, %mul3A_167 : vector<16xi32>
      %get3A_169 = arith.index_cast %scan3A_31 : i32 to index
      %get3A_170 = arith.constant 112 : index
      %get3A_171 = tpu.vector_load %arg12[%get3A_169, %get3A_170] {strides = array<i32>} : memref<160x128xi32, #tpu.memory_space<vmem>>, vector<1x16xi32>,
      %get3A_172 = vector.shape_cast %get3A_171 : vector<1x16xi32> to vector<16xi32>
      %add3A_173 = arith.addi %mul3A_168, %get3A_172 : vector<16xi32>
      %add3A_174 = vector.broadcast %mul3A_0 : i32 to vector<16xi32>
      %add3A_175 = arith.addi %add3A_173, %add3A_174 : vector<16xi32>
      %swap3A_176 = arith.index_cast %scan3A_31 : i32 to index
      %swap3A_177 = arith.constant 112 : index
      %swap3A_178 = tpu.vector_load %arg11[%swap3A_176, %swap3A_177] {strides = array<i32>} : memref<160x128xi32, #tpu.memory_space<vmem>>, vector<1x16xi32>,
      %swap3A_179 = vector.shape_cast %swap3A_178 : vector<1x16xi32> to vector<16xi32>
      %swap3A_180 = vector.shape_cast %add3A_175 : vector<16xi32> to vector<1x16xi32>
      tpu.vector_store %arg11[%swap3A_176, %swap3A_177], %swap3A_180 {strides = array<i32>} : memref<160x128xi32, #tpu.memory_space<vmem>>, vector<1x16xi32>,
    }
    %scan3A_9 = arith.constant 160 : i32
    %dma_start3A = arith.constant 0 : i32
    %dma_start3A_10 = arith.constant 0 : i32
    %dma_start3A_11 = tpu.memref_slice %arg11[%dma_start3A, %dma_start3A_10] : memref<160x128xi32, #tpu.memory_space<vmem>> -> memref<1x128xi32, #tpu.memory_space<vmem>>
    %dma_start3A_12 = tpu.memref_squeeze %dma_start3A_11 : memref<1x128xi32, #tpu.memory_space<vmem>> -> memref<128xi32, #tpu.memory_space<vmem>>
    %dma_start3A_13 = arith.constant 0 : i32
    %dma_start3A_14 = arith.constant 0 : i32
    %dma_start3A_15 = tpu.memref_slice %arg2[%dma_start3A_13, %dma_start3A_14] : memref<320000x64xf32, #tpu.memory_space<hbm>> -> memref<320000x64xf32, #tpu.memory_space<hbm>>
    tpu.enqueue_indirect_dma source(%dma_start3A_15 : memref<320000x64xf32, #tpu.memory_space<hbm>>) target(%arg14 : memref<128x64xf32, #tpu.memory_space<vmem>>) offsets(%dma_start3A_12 : memref<128xi32, #tpu.memory_space<vmem>>) semaphore(%arg19 : memref<!tpu.dma_semaphore, #tpu.memory_space<semaphore_mem>>)
    %scan3A_16 = arith.constant 0 : i32
    %scan3A_17 = arith.constant 0 : i32
    %scan3A_18 = arith.constant 80 : i32
    %scan3A_19 = arith.addi %scan3A_17, %scan3A_18 : i32
    %scan3A_20 = arith.constant 1 : i32
    scf.for %scan3A_31 = %scan3A_17 to %scan3A_19 step %scan3A_20  : i32 {
      %mul3A_32 = arith.constant 2 : i32
      %mul3A_33 = arith.muli %scan3A_31, %mul3A_32 : i32
      %add3A = arith.constant 0 : i32
      %add3A_34 = arith.addi %mul3A_33, %add3A : i32
      %dma_wait3A = arith.constant 0 : i32
      %dma_wait3A_35 = tpu.memref_slice %arg11[%add3A_34, %dma_wait3A] : memref<160x128xi32, #tpu.memory_space<vmem>> -> memref<1x128xi32, #tpu.memory_space<vmem>>
      %dma_wait3A_36 = tpu.memref_squeeze %dma_wait3A_35 : memref<1x128xi32, #tpu.memory_space<vmem>> -> memref<128xi32, #tpu.memory_space<vmem>>
      %dma_wait3A_37 = arith.constant 0 : i32
      %dma_wait3A_38 = arith.constant 0 : i32
      %dma_wait3A_39 = tpu.memref_slice %arg2[%dma_wait3A_37, %dma_wait3A_38] : memref<320000x64xf32, #tpu.memory_space<hbm>> -> memref<320000x64xf32, #tpu.memory_space<hbm>>
      tpu.wait_indirect_dma semaphore(%arg19 : memref<!tpu.dma_semaphore, #tpu.memory_space<semaphore_mem>>) src(%dma_wait3A_39 : memref<320000x64xf32, #tpu.memory_space<hbm>>) dst(%arg14 : memref<128x64xf32, #tpu.memory_space<vmem>>)
      %add3A_40 = arith.constant 1 : i32
      %add3A_41 = arith.addi %add3A_34, %add3A_40 : i32
      %lt3A = arith.constant 160 : i32
      %lt3A_42 = arith.cmpi slt, %add3A_41, %lt3A : i32
      %convert_element_type3A = arith.extui %lt3A_42 : i1 to i32
      %cond3A = arith.constant 0 : i32
      %cond3A_43 = arith.cmpi ne, %convert_element_type3A, %cond3A : i32
      scf.if %cond3A_43 {
        %add3A_70 = arith.constant 1 : i32
        %add3A_71 = arith.addi %add3A_34, %add3A_70 : i32
        %jit3A = arith.constant 160 : i32
        %eq3A_72 = arith.constant 0 : i32
        %eq3A_73 = arith.cmpi eq, %jit3A, %eq3A_72 : i32
        %jit3A_74 = arith.constant 1 : i32
        %select_n3A = arith.select %eq3A_73, %jit3A_74, %jit3A : i32
        %rem3A = arith.remsi %add3A_71, %select_n3A : i32
        %ne3A = arith.constant 0 : i32
        %ne3A_75 = arith.cmpi ne, %rem3A, %ne3A : i32
        %lt3A_76 = arith.constant 0 : i32
        %lt3A_77 = arith.cmpi slt, %rem3A, %lt3A_76 : i32
        %lt3A_78 = arith.constant 0 : i32
        %lt3A_79 = arith.cmpi slt, %select_n3A, %lt3A_78 : i32
        %ne3A_80 = arith.xori %lt3A_77, %lt3A_79 : i1
        %and3A = arith.andi %ne3A_80, %ne3A_75 : i1
        %add3A_81 = arith.addi %rem3A, %select_n3A : i32
        %select_n3A_82 = arith.select %and3A, %add3A_81, %rem3A : i32
        %dma_start3A_83 = arith.constant 0 : i32
        %dma_start3A_84 = tpu.memref_slice %arg11[%select_n3A_82, %dma_start3A_83] : memref<160x128xi32, #tpu.memory_space<vmem>> -> memref<1x128xi32, #tpu.memory_space<vmem>>
        %dma_start3A_85 = tpu.memref_squeeze %dma_start3A_84 : memref<1x128xi32, #tpu.memory_space<vmem>> -> memref<128xi32, #tpu.memory_space<vmem>>
        %dma_start3A_86 = arith.constant 0 : i32
        %dma_start3A_87 = arith.constant 0 : i32
        %dma_start3A_88 = tpu.memref_slice %arg2[%dma_start3A_86, %dma_start3A_87] : memref<320000x64xf32, #tpu.memory_space<hbm>> -> memref<320000x64xf32, #tpu.memory_space<hbm>>
        tpu.enqueue_indirect_dma source(%dma_start3A_88 : memref<320000x64xf32, #tpu.memory_space<hbm>>) target(%arg15 : memref<128x64xf32, #tpu.memory_space<vmem>>) offsets(%dma_start3A_85 : memref<128xi32, #tpu.memory_space<vmem>>) semaphore(%arg20 : memref<!tpu.dma_semaphore, #tpu.memory_space<semaphore_mem>>)
      } else {
      }
      "tpu.region"() ({
        %run_scoped3A = tpu.sem_alloc : memref<!tpu.dma_semaphore, #tpu.memory_space<semaphore_mem>>
        %dma_start3A_70 = arith.constant 0 : i32
        %dma_start3A_71 = tpu.memref_slice %arg13[%add3A_34, %dma_start3A_70] : memref<160x128xi32, #tpu.memory_space<vmem>> -> memref<1x128xi32, #tpu.memory_space<vmem>>
        %dma_start3A_72 = tpu.memref_squeeze %dma_start3A_71 : memref<1x128xi32, #tpu.memory_space<vmem>> -> memref<128xi32, #tpu.memory_space<vmem>>
        %dma_start3A_73 = arith.constant 0 : i32
        %dma_start3A_74 = arith.constant 0 : i32
        %dma_start3A_75 = tpu.memref_slice %arg17[%dma_start3A_73, %dma_start3A_74] : memref<10240x64xf32, #tpu.memory_space<vmem_shared>> -> memref<10240x64xf32, #tpu.memory_space<vmem_shared>>
        tpu.enqueue_indirect_dma source(%arg14 : memref<128x64xf32, #tpu.memory_space<vmem>>) target(%dma_start3A_75 : memref<10240x64xf32, #tpu.memory_space<vmem_shared>>) offsets(%dma_start3A_72 : memref<128xi32, #tpu.memory_space<vmem>>) semaphore(%run_scoped3A : memref<!tpu.dma_semaphore, #tpu.memory_space<semaphore_mem>>) {add = true}
        %dma_wait3A_76 = arith.constant 0 : i32
        %dma_wait3A_77 = tpu.memref_slice %arg13[%add3A_34, %dma_wait3A_76] : memref<160x128xi32, #tpu.memory_space<vmem>> -> memref<1x128xi32, #tpu.memory_space<vmem>>
        %dma_wait3A_78 = tpu.memref_squeeze %dma_wait3A_77 : memref<1x128xi32, #tpu.memory_space<vmem>> -> memref<128xi32, #tpu.memory_space<vmem>>
        %dma_wait3A_79 = arith.constant 0 : i32
        %dma_wait3A_80 = arith.constant 0 : i32
        %dma_wait3A_81 = tpu.memref_slice %arg17[%dma_wait3A_79, %dma_wait3A_80] : memref<10240x64xf32, #tpu.memory_space<vmem_shared>> -> memref<10240x64xf32, #tpu.memory_space<vmem_shared>>
        tpu.wait_indirect_dma semaphore(%run_scoped3A : memref<!tpu.dma_semaphore, #tpu.memory_space<semaphore_mem>>) src(%arg14 : memref<128x64xf32, #tpu.memory_space<vmem>>) dst(%dma_wait3A_81 : memref<10240x64xf32, #tpu.memory_space<vmem_shared>>)
        tpu.yield
      }) : () -> ()
      %eq3A = arith.constant 0 : i32
      %eq3A_44 = arith.cmpi eq, %arg0, %eq3A : i32
      %convert_element_type3A_45 = arith.extui %eq3A_44 : i1 to i32
      %cond3A_46 = arith.constant 0 : i32
      %cond3A_47 = arith.cmpi ne, %convert_element_type3A_45, %cond3A_46 : i32
      scf.if %cond3A_47 {
        "tpu.region"() ({
          %run_scoped3A = tpu.sem_alloc : memref<!tpu.dma_semaphore, #tpu.memory_space<semaphore_mem>>
          %dma_start3A_70 = arith.constant 0 : i32
          %dma_start3A_71 = tpu.memref_slice %arg13[%add3A_34, %dma_start3A_70] : memref<160x128xi32, #tpu.memory_space<vmem>> -> memref<1x128xi32, #tpu.memory_space<vmem>>
          %dma_start3A_72 = tpu.memref_squeeze %dma_start3A_71 : memref<1x128xi32, #tpu.memory_space<vmem>> -> memref<128xi32, #tpu.memory_space<vmem>>
          %dma_start3A_73 = arith.constant 0 : i32
          %dma_start3A_74 = arith.constant 0 : i32
          %dma_start3A_75 = tpu.memref_slice %arg18[%dma_start3A_73, %dma_start3A_74] : memref<10240x16xf32, #tpu.memory_space<vmem_shared>> -> memref<10240x16xf32, #tpu.memory_space<vmem_shared>>
          tpu.enqueue_indirect_dma source(%arg16 : memref<128x16xf32, #tpu.memory_space<vmem>>) target(%dma_start3A_75 : memref<10240x16xf32, #tpu.memory_space<vmem_shared>>) offsets(%dma_start3A_72 : memref<128xi32, #tpu.memory_space<vmem>>) semaphore(%run_scoped3A : memref<!tpu.dma_semaphore, #tpu.memory_space<semaphore_mem>>) {add = true}
          %dma_wait3A_76 = arith.constant 0 : i32
          %dma_wait3A_77 = tpu.memref_slice %arg13[%add3A_34, %dma_wait3A_76] : memref<160x128xi32, #tpu.memory_space<vmem>> -> memref<1x128xi32, #tpu.memory_space<vmem>>
          %dma_wait3A_78 = tpu.memref_squeeze %dma_wait3A_77 : memref<1x128xi32, #tpu.memory_space<vmem>> -> memref<128xi32, #tpu.memory_space<vmem>>
          %dma_wait3A_79 = arith.constant 0 : i32
          %dma_wait3A_80 = arith.constant 0 : i32
          %dma_wait3A_81 = tpu.memref_slice %arg18[%dma_wait3A_79, %dma_wait3A_80] : memref<10240x16xf32, #tpu.memory_space<vmem_shared>> -> memref<10240x16xf32, #tpu.memory_space<vmem_shared>>
          tpu.wait_indirect_dma semaphore(%run_scoped3A : memref<!tpu.dma_semaphore, #tpu.memory_space<semaphore_mem>>) src(%arg16 : memref<128x16xf32, #tpu.memory_space<vmem>>) dst(%dma_wait3A_81 : memref<10240x16xf32, #tpu.memory_space<vmem_shared>>)
          tpu.yield
        }) : () -> ()
      } else {
      }
      %mul3A_48 = arith.constant 2 : i32
      %mul3A_49 = arith.muli %scan3A_31, %mul3A_48 : i32
      %add3A_50 = arith.constant 1 : i32
      %add3A_51 = arith.addi %mul3A_49, %add3A_50 : i32
      %dma_wait3A_52 = arith.constant 0 : i32
      %dma_wait3A_53 = tpu.memref_slice %arg11[%add3A_51, %dma_wait3A_52] : memref<160x128xi32, #tpu.memory_space<vmem>> -> memref<1x128xi32, #tpu.memory_space<vmem>>
      %dma_wait3A_54 = tpu.memref_squeeze %dma_wait3A_53 : memref<1x128xi32, #tpu.memory_space<vmem>> -> memref<128xi32, #tpu.memory_space<vmem>>
      %dma_wait3A_55 = arith.constant 0 : i32
      %dma_wait3A_56 = arith.constant 0 : i32
      %dma_wait3A_57 = tpu.memref_slice %arg2[%dma_wait3A_55, %dma_wait3A_56] : memref<320000x64xf32, #tpu.memory_space<hbm>> -> memref<320000x64xf32, #tpu.memory_space<hbm>>
      tpu.wait_indirect_dma semaphore(%arg20 : memref<!tpu.dma_semaphore, #tpu.memory_space<semaphore_mem>>) src(%dma_wait3A_57 : memref<320000x64xf32, #tpu.memory_space<hbm>>) dst(%arg15 : memref<128x64xf32, #tpu.memory_space<vmem>>)
      %add3A_58 = arith.constant 1 : i32
      %add3A_59 = arith.addi %add3A_51, %add3A_58 : i32
      %lt3A_60 = arith.constant 160 : i32
      %lt3A_61 = arith.cmpi slt, %add3A_59, %lt3A_60 : i32
      %convert_element_type3A_62 = arith.extui %lt3A_61 : i1 to i32
      %cond3A_63 = arith.constant 0 : i32
      %cond3A_64 = arith.cmpi ne, %convert_element_type3A_62, %cond3A_63 : i32
      scf.if %cond3A_64 {
        %add3A_70 = arith.constant 1 : i32
        %add3A_71 = arith.addi %add3A_51, %add3A_70 : i32
        %jit3A = arith.constant 160 : i32
        %eq3A_72 = arith.constant 0 : i32
        %eq3A_73 = arith.cmpi eq, %jit3A, %eq3A_72 : i32
        %jit3A_74 = arith.constant 1 : i32
        %select_n3A = arith.select %eq3A_73, %jit3A_74, %jit3A : i32
        %rem3A = arith.remsi %add3A_71, %select_n3A : i32
        %ne3A = arith.constant 0 : i32
        %ne3A_75 = arith.cmpi ne, %rem3A, %ne3A : i32
        %lt3A_76 = arith.constant 0 : i32
        %lt3A_77 = arith.cmpi slt, %rem3A, %lt3A_76 : i32
        %lt3A_78 = arith.constant 0 : i32
        %lt3A_79 = arith.cmpi slt, %select_n3A, %lt3A_78 : i32
        %ne3A_80 = arith.xori %lt3A_77, %lt3A_79 : i1
        %and3A = arith.andi %ne3A_80, %ne3A_75 : i1
        %add3A_81 = arith.addi %rem3A, %select_n3A : i32
        %select_n3A_82 = arith.select %and3A, %add3A_81, %rem3A : i32
        %dma_start3A_83 = arith.constant 0 : i32
        %dma_start3A_84 = tpu.memref_slice %arg11[%select_n3A_82, %dma_start3A_83] : memref<160x128xi32, #tpu.memory_space<vmem>> -> memref<1x128xi32, #tpu.memory_space<vmem>>
        %dma_start3A_85 = tpu.memref_squeeze %dma_start3A_84 : memref<1x128xi32, #tpu.memory_space<vmem>> -> memref<128xi32, #tpu.memory_space<vmem>>
        %dma_start3A_86 = arith.constant 0 : i32
        %dma_start3A_87 = arith.constant 0 : i32
        %dma_start3A_88 = tpu.memref_slice %arg2[%dma_start3A_86, %dma_start3A_87] : memref<320000x64xf32, #tpu.memory_space<hbm>> -> memref<320000x64xf32, #tpu.memory_space<hbm>>
        tpu.enqueue_indirect_dma source(%dma_start3A_88 : memref<320000x64xf32, #tpu.memory_space<hbm>>) target(%arg14 : memref<128x64xf32, #tpu.memory_space<vmem>>) offsets(%dma_start3A_85 : memref<128xi32, #tpu.memory_space<vmem>>) semaphore(%arg19 : memref<!tpu.dma_semaphore, #tpu.memory_space<semaphore_mem>>)
      } else {
      }
      "tpu.region"() ({
        %run_scoped3A = tpu.sem_alloc : memref<!tpu.dma_semaphore, #tpu.memory_space<semaphore_mem>>
        %dma_start3A_70 = arith.constant 0 : i32
        %dma_start3A_71 = tpu.memref_slice %arg13[%add3A_51, %dma_start3A_70] : memref<160x128xi32, #tpu.memory_space<vmem>> -> memref<1x128xi32, #tpu.memory_space<vmem>>
        %dma_start3A_72 = tpu.memref_squeeze %dma_start3A_71 : memref<1x128xi32, #tpu.memory_space<vmem>> -> memref<128xi32, #tpu.memory_space<vmem>>
        %dma_start3A_73 = arith.constant 0 : i32
        %dma_start3A_74 = arith.constant 0 : i32
        %dma_start3A_75 = tpu.memref_slice %arg17[%dma_start3A_73, %dma_start3A_74] : memref<10240x64xf32, #tpu.memory_space<vmem_shared>> -> memref<10240x64xf32, #tpu.memory_space<vmem_shared>>
        tpu.enqueue_indirect_dma source(%arg15 : memref<128x64xf32, #tpu.memory_space<vmem>>) target(%dma_start3A_75 : memref<10240x64xf32, #tpu.memory_space<vmem_shared>>) offsets(%dma_start3A_72 : memref<128xi32, #tpu.memory_space<vmem>>) semaphore(%run_scoped3A : memref<!tpu.dma_semaphore, #tpu.memory_space<semaphore_mem>>) {add = true}
        %dma_wait3A_76 = arith.constant 0 : i32
        %dma_wait3A_77 = tpu.memref_slice %arg13[%add3A_51, %dma_wait3A_76] : memref<160x128xi32, #tpu.memory_space<vmem>> -> memref<1x128xi32, #tpu.memory_space<vmem>>
        %dma_wait3A_78 = tpu.memref_squeeze %dma_wait3A_77 : memref<1x128xi32, #tpu.memory_space<vmem>> -> memref<128xi32, #tpu.memory_space<vmem>>
        %dma_wait3A_79 = arith.constant 0 : i32
        %dma_wait3A_80 = arith.constant 0 : i32
        %dma_wait3A_81 = tpu.memref_slice %arg17[%dma_wait3A_79, %dma_wait3A_80] : memref<10240x64xf32, #tpu.memory_space<vmem_shared>> -> memref<10240x64xf32, #tpu.memory_space<vmem_shared>>
        tpu.wait_indirect_dma semaphore(%run_scoped3A : memref<!tpu.dma_semaphore, #tpu.memory_space<semaphore_mem>>) src(%arg15 : memref<128x64xf32, #tpu.memory_space<vmem>>) dst(%dma_wait3A_81 : memref<10240x64xf32, #tpu.memory_space<vmem_shared>>)
        tpu.yield
      }) : () -> ()
      %eq3A_65 = arith.constant 1 : i32
      %eq3A_66 = arith.cmpi eq, %arg0, %eq3A_65 : i32
      %convert_element_type3A_67 = arith.extui %eq3A_66 : i1 to i32
      %cond3A_68 = arith.constant 0 : i32
      %cond3A_69 = arith.cmpi ne, %convert_element_type3A_67, %cond3A_68 : i32
      scf.if %cond3A_69 {
        "tpu.region"() ({
          %run_scoped3A = tpu.sem_alloc : memref<!tpu.dma_semaphore, #tpu.memory_space<semaphore_mem>>
          %dma_start3A_70 = arith.constant 0 : i32
          %dma_start3A_71 = tpu.memref_slice %arg13[%add3A_51, %dma_start3A_70] : memref<160x128xi32, #tpu.memory_space<vmem>> -> memref<1x128xi32, #tpu.memory_space<vmem>>
          %dma_start3A_72 = tpu.memref_squeeze %dma_start3A_71 : memref<1x128xi32, #tpu.memory_space<vmem>> -> memref<128xi32, #tpu.memory_space<vmem>>
          %dma_start3A_73 = arith.constant 0 : i32
          %dma_start3A_74 = arith.constant 0 : i32
          %dma_start3A_75 = tpu.memref_slice %arg18[%dma_start3A_73, %dma_start3A_74] : memref<10240x16xf32, #tpu.memory_space<vmem_shared>> -> memref<10240x16xf32, #tpu.memory_space<vmem_shared>>
          tpu.enqueue_indirect_dma source(%arg16 : memref<128x16xf32, #tpu.memory_space<vmem>>) target(%dma_start3A_75 : memref<10240x16xf32, #tpu.memory_space<vmem_shared>>) offsets(%dma_start3A_72 : memref<128xi32, #tpu.memory_space<vmem>>) semaphore(%run_scoped3A : memref<!tpu.dma_semaphore, #tpu.memory_space<semaphore_mem>>) {add = true}
          %dma_wait3A_76 = arith.constant 0 : i32
          %dma_wait3A_77 = tpu.memref_slice %arg13[%add3A_51, %dma_wait3A_76] : memref<160x128xi32, #tpu.memory_space<vmem>> -> memref<1x128xi32, #tpu.memory_space<vmem>>
          %dma_wait3A_78 = tpu.memref_squeeze %dma_wait3A_77 : memref<1x128xi32, #tpu.memory_space<vmem>> -> memref<128xi32, #tpu.memory_space<vmem>>
          %dma_wait3A_79 = arith.constant 0 : i32
          %dma_wait3A_80 = arith.constant 0 : i32
          %dma_wait3A_81 = tpu.memref_slice %arg18[%dma_wait3A_79, %dma_wait3A_80] : memref<10240x16xf32, #tpu.memory_space<vmem_shared>> -> memref<10240x16xf32, #tpu.memory_space<vmem_shared>>
          tpu.wait_indirect_dma semaphore(%run_scoped3A : memref<!tpu.dma_semaphore, #tpu.memory_space<semaphore_mem>>) src(%arg16 : memref<128x16xf32, #tpu.memory_space<vmem>>) dst(%dma_wait3A_81 : memref<10240x16xf32, #tpu.memory_space<vmem_shared>>)
          tpu.yield
        }) : () -> ()
      } else {
      }
    }
    %scan3A_21 = arith.constant 80 : i32
    %barrier3A_22 = arith.constant 0 : index
    tpu.barrier barrier_id(%barrier3A_22)
    %mul3A_23 = arith.constant 640 : i32
    %mul3A_24 = arith.muli %arg1, %mul3A_23 : i32
    %mul3A_25 = arith.constant 640 : i32
    %mul3A_26 = arith.muli %arg1, %mul3A_25 : i32
    "tpu.region"() ({
      %run_scoped3A = tpu.sem_alloc : memref<!tpu.dma_semaphore, #tpu.memory_space<semaphore_mem>>
      %dma_start3A_31 = arith.constant 0 : i32
      %dma_start3A_32 = arith.constant 0 : i32
      %dma_start3A_33 = tpu.memref_slice %arg9[%arg0, %dma_start3A_31, %dma_start3A_32] : memref<2x10240x64xf32, #tpu.memory_space<hbm>> -> memref<1x10240x64xf32, #tpu.memory_space<hbm>>
      %dma_start3A_34 = tpu.memref_squeeze %dma_start3A_33 : memref<1x10240x64xf32, #tpu.memory_space<hbm>> -> memref<10240x64xf32, #tpu.memory_space<hbm>>
      %dma_start3A_35 = arith.constant 0 : i32
      %dma_start3A_36 = tpu.memref_slice %dma_start3A_34[%mul3A_26, %dma_start3A_35] : memref<10240x64xf32, #tpu.memory_space<hbm>> -> memref<640x64xf32, #tpu.memory_space<hbm>>
      %dma_start3A_37 = arith.constant 0 : i32
      %dma_start3A_38 = tpu.memref_slice %arg17[%mul3A_24, %dma_start3A_37] : memref<10240x64xf32, #tpu.memory_space<vmem_shared>> -> memref<640x64xf32, #tpu.memory_space<vmem_shared>>
      tpu.enqueue_dma source(%dma_start3A_38 : memref<640x64xf32, #tpu.memory_space<vmem_shared>>) target(%dma_start3A_36 : memref<640x64xf32, #tpu.memory_space<hbm>>) target_semaphore(%run_scoped3A : memref<!tpu.dma_semaphore, #tpu.memory_space<semaphore_mem>>)
      %dma_wait3A = arith.constant 0 : i32
      %dma_wait3A_39 = arith.constant 0 : i32
      %dma_wait3A_40 = tpu.memref_slice %arg9[%arg0, %dma_wait3A, %dma_wait3A_39] : memref<2x10240x64xf32, #tpu.memory_space<hbm>> -> memref<1x10240x64xf32, #tpu.memory_space<hbm>>
      %dma_wait3A_41 = tpu.memref_squeeze %dma_wait3A_40 : memref<1x10240x64xf32, #tpu.memory_space<hbm>> -> memref<10240x64xf32, #tpu.memory_space<hbm>>
      %dma_wait3A_42 = arith.constant 0 : i32
      %dma_wait3A_43 = tpu.memref_slice %dma_wait3A_41[%mul3A_26, %dma_wait3A_42] : memref<10240x64xf32, #tpu.memory_space<hbm>> -> memref<640x64xf32, #tpu.memory_space<hbm>>
      %dma_wait3A_44 = arith.constant 0 : i32
      %dma_wait3A_45 = tpu.memref_slice %arg17[%mul3A_24, %dma_wait3A_44] : memref<10240x64xf32, #tpu.memory_space<vmem_shared>> -> memref<640x64xf32, #tpu.memory_space<vmem_shared>>
      tpu.wait_dma2 semaphore(%run_scoped3A : memref<!tpu.dma_semaphore, #tpu.memory_space<semaphore_mem>>) src(%dma_wait3A_45 : memref<640x64xf32, #tpu.memory_space<vmem_shared>>) dst(%dma_wait3A_43 : memref<640x64xf32, #tpu.memory_space<hbm>>)
      tpu.yield
    }) : () -> ()
    %mul3A_27 = arith.constant 640 : i32
    %mul3A_28 = arith.muli %arg1, %mul3A_27 : i32
    %mul3A_29 = arith.constant 640 : i32
    %mul3A_30 = arith.muli %arg1, %mul3A_29 : i32
    "tpu.region"() ({
      %run_scoped3A = tpu.sem_alloc : memref<!tpu.dma_semaphore, #tpu.memory_space<semaphore_mem>>
      %dma_start3A_31 = arith.constant 0 : i32
      %dma_start3A_32 = arith.constant 0 : i32
      %dma_start3A_33 = tpu.memref_slice %arg10[%arg0, %dma_start3A_31, %dma_start3A_32] : memref<2x10240x16xf32, #tpu.memory_space<hbm>> -> memref<1x10240x16xf32, #tpu.memory_space<hbm>>
      %dma_start3A_34 = tpu.memref_squeeze %dma_start3A_33 : memref<1x10240x16xf32, #tpu.memory_space<hbm>> -> memref<10240x16xf32, #tpu.memory_space<hbm>>
      %dma_start3A_35 = arith.constant 0 : i32
      %dma_start3A_36 = tpu.memref_slice %dma_start3A_34[%mul3A_30, %dma_start3A_35] : memref<10240x16xf32, #tpu.memory_space<hbm>> -> memref<640x16xf32, #tpu.memory_space<hbm>>
      %dma_start3A_37 = arith.constant 0 : i32
      %dma_start3A_38 = tpu.memref_slice %arg18[%mul3A_28, %dma_start3A_37] : memref<10240x16xf32, #tpu.memory_space<vmem_shared>> -> memref<640x16xf32, #tpu.memory_space<vmem_shared>>
      tpu.enqueue_dma source(%dma_start3A_38 : memref<640x16xf32, #tpu.memory_space<vmem_shared>>) target(%dma_start3A_36 : memref<640x16xf32, #tpu.memory_space<hbm>>) target_semaphore(%run_scoped3A : memref<!tpu.dma_semaphore, #tpu.memory_space<semaphore_mem>>)
      %dma_wait3A = arith.constant 0 : i32
      %dma_wait3A_39 = arith.constant 0 : i32
      %dma_wait3A_40 = tpu.memref_slice %arg10[%arg0, %dma_wait3A, %dma_wait3A_39] : memref<2x10240x16xf32, #tpu.memory_space<hbm>> -> memref<1x10240x16xf32, #tpu.memory_space<hbm>>
      %dma_wait3A_41 = tpu.memref_squeeze %dma_wait3A_40 : memref<1x10240x16xf32, #tpu.memory_space<hbm>> -> memref<10240x16xf32, #tpu.memory_space<hbm>>
      %dma_wait3A_42 = arith.constant 0 : i32
      %dma_wait3A_43 = tpu.memref_slice %dma_wait3A_41[%mul3A_30, %dma_wait3A_42] : memref<10240x16xf32, #tpu.memory_space<hbm>> -> memref<640x16xf32, #tpu.memory_space<hbm>>
      %dma_wait3A_44 = arith.constant 0 : i32
      %dma_wait3A_45 = tpu.memref_slice %arg18[%mul3A_28, %dma_wait3A_44] : memref<10240x16xf32, #tpu.memory_space<vmem_shared>> -> memref<640x16xf32, #tpu.memory_space<vmem_shared>>
      tpu.wait_dma2 semaphore(%run_scoped3A : memref<!tpu.dma_semaphore, #tpu.memory_space<semaphore_mem>>) src(%dma_wait3A_45 : memref<640x16xf32, #tpu.memory_space<vmem_shared>>) dst(%dma_wait3A_43 : memref<640x16xf32, #tpu.memory_space<hbm>>)
      tpu.yield
    }) : () -> ()
    return
  }
}

module attributes {stable_mosaic.version = 14 : i64} {
  func.func @_pad_body(%arg0: i32, %arg1: memref<1x128x128xi32, #tpu.memory_space<vmem>>, %arg2: memref<1x128x128xi32, #tpu.memory_space<vmem>>, %arg3: memref<128x128xi32, #tpu.memory_space<vmem>>, %arg4: memref<128x128xi32, #tpu.memory_space<vmem>>, %arg5: memref<128x128xi32, #tpu.memory_space<vmem>>, %arg6: memref<128x128xi32, #tpu.memory_space<vmem>>) attributes {dimension_semantics = [#tpu.dimension_semantics<arbitrary>], iteration_bounds = array<i64: 20>, scalar_prefetch = 0 : i64, scratch_operands = 0 : i64, tpu.core_type = #tpu.core_type<tc>, window_params = [{transform_indices = @transform_0, window_bounds = array<i64: 1, 128, 128>}, {transform_indices = @transform_1, window_bounds = array<i64: 1, 128, 128>}, {transform_indices = @transform_2, window_bounds = array<i64: 128, 128>}, {transform_indices = @transform_3, window_bounds = array<i64: 128, 128>}, {transform_indices = @transform_4, window_bounds = array<i64: 128, 128>}, {transform_indices = @transform_5, window_bounds = array<i64: 128, 128>}]} {
    %mul3A = arith.constant 128 : i32
    %mul3A_0 = arith.muli %arg0, %mul3A : i32
    %iota3A = tpu.iota {dimensions = array<i32: 0>} : vector<128x128xi32>
    %add3A = vector.broadcast %mul3A_0 : i32 to vector<128x128xi32>
    %add3A_1 = arith.addi %add3A, %iota3A : vector<128x128xi32>
    %iota3A_2 = tpu.iota {dimensions = array<i32: 1>} : vector<128x128xi32>
    %lt3A = arith.constant 2500 : i32
    %lt3A_3 = vector.broadcast %lt3A : i32 to vector<128x128xi32>
    %lt3A_4 = arith.cmpi slt, %add3A_1, %lt3A_3 : vector<128x128xi32>
    %mul3A_5 = arith.constant 128 : i32
    %mul3A_6 = vector.broadcast %mul3A_5 : i32 to vector<128x128xi32>
    %mul3A_7 = arith.muli %add3A_1, %mul3A_6 : vector<128x128xi32>
    %add3A_8 = arith.addi %mul3A_7, %iota3A_2 : vector<128x128xi32>
    %jit3A = arith.constant 240 : i32
    %eq3A = arith.constant 0 : i32
    %eq3A_9 = arith.cmpi eq, %jit3A, %eq3A : i32
    %jit3A_10 = arith.constant 1 : i32
    %select_n3A = arith.select %eq3A_9, %jit3A_10, %jit3A : i32
    %rem3A = vector.broadcast %select_n3A : i32 to vector<128x128xi32>
    %rem3A_11 = arith.remsi %add3A_8, %rem3A : vector<128x128xi32>
    %ne3A = arith.constant 0 : i32
    %ne3A_12 = vector.broadcast %ne3A : i32 to vector<128x128xi32>
    %ne3A_13 = arith.cmpi ne, %rem3A_11, %ne3A_12 : vector<128x128xi32>
    %lt3A_14 = arith.constant 0 : i32
    %lt3A_15 = vector.broadcast %lt3A_14 : i32 to vector<128x128xi32>
    %lt3A_16 = arith.cmpi slt, %rem3A_11, %lt3A_15 : vector<128x128xi32>
    %lt3A_17 = arith.constant 0 : i32
    %lt3A_18 = arith.cmpi slt, %select_n3A, %lt3A_17 : i32
    %ne3A_19 = vector.broadcast %lt3A_18 : i1 to vector<128x128xi1>
    %ne3A_20 = vector.broadcast %ne3A_19 : vector<128x128xi1> to vector<128x128xi1>
    %ne3A_21 = arith.xori %lt3A_16, %ne3A_20 : vector<128x128xi1>
    %and3A = arith.andi %ne3A_21, %ne3A_13 : vector<128x128xi1>
    %add3A_22 = vector.broadcast %select_n3A : i32 to vector<128x128xi32>
    %add3A_23 = arith.addi %rem3A_11, %add3A_22 : vector<128x128xi32>
    %select_n3A_24 = arith.select %and3A, %add3A_23, %rem3A_11 : vector<128x128xi1>, vector<128x128xi32>
    %add3A_25 = arith.constant 10000 : i32
    %add3A_26 = vector.broadcast %add3A_25 : i32 to vector<128x128xi32>
    %add3A_27 = arith.addi %add3A_26, %select_n3A_24 : vector<128x128xi32>
    %get3A = arith.constant 0 : index
    %get3A_28 = arith.constant 0 : index
    %get3A_29 = arith.constant 0 : index
    %get3A_30 = vector.load %arg1[%get3A, %get3A_28, %get3A_29] : memref<1x128x128xi32, #tpu.memory_space<vmem>>, vector<1x128x128xi32>
    %get3A_31 = vector.shape_cast %get3A_30 : vector<1x128x128xi32> to vector<128x128xi32>
    %jit3A_32 = arith.constant 0 : i32
    %broadcast_in_dim3A = vector.broadcast %jit3A_32 : i32 to vector<128x128xi32>
    %select_n3A_33 = arith.select %lt3A_4, %get3A_31, %broadcast_in_dim3A : vector<128x128xi1>, vector<128x128xi32>
    %swap3A = arith.constant 0 : index
    %swap3A_34 = arith.constant 0 : index
    %swap3A_35 = vector.load %arg4[%swap3A, %swap3A_34] : memref<128x128xi32, #tpu.memory_space<vmem>>, vector<128x128xi32>
    tpu.vector_store %arg4[%swap3A, %swap3A_34], %select_n3A_33 {strides = array<i32>} : memref<128x128xi32, #tpu.memory_space<vmem>>, vector<128x128xi32>,
    %get3A_36 = arith.constant 0 : index
    %get3A_37 = arith.constant 0 : index
    %get3A_38 = arith.constant 0 : index
    %get3A_39 = vector.load %arg2[%get3A_36, %get3A_37, %get3A_38] : memref<1x128x128xi32, #tpu.memory_space<vmem>>, vector<1x128x128xi32>
    %get3A_40 = vector.shape_cast %get3A_39 : vector<1x128x128xi32> to vector<128x128xi32>
    %select_n3A_41 = arith.select %lt3A_4, %get3A_40, %add3A_27 : vector<128x128xi1>, vector<128x128xi32>
    %swap3A_42 = arith.constant 0 : index
    %swap3A_43 = arith.constant 0 : index
    %swap3A_44 = vector.load %arg5[%swap3A_42, %swap3A_43] : memref<128x128xi32, #tpu.memory_space<vmem>>, vector<128x128xi32>
    tpu.vector_store %arg5[%swap3A_42, %swap3A_43], %select_n3A_41 {strides = array<i32>} : memref<128x128xi32, #tpu.memory_space<vmem>>, vector<128x128xi32>,
    %get3A_45 = arith.constant 0 : index
    %get3A_46 = arith.constant 0 : index
    %get3A_47 = vector.load %arg3[%get3A_45, %get3A_46] : memref<128x128xi32, #tpu.memory_space<vmem>>, vector<128x128xi32>
    %jit3A_48 = arith.constant 0 : i32
    %broadcast_in_dim3A_49 = vector.broadcast %jit3A_48 : i32 to vector<128x128xi32>
    %select_n3A_50 = arith.select %lt3A_4, %get3A_47, %broadcast_in_dim3A_49 : vector<128x128xi1>, vector<128x128xi32>
    %swap3A_51 = arith.constant 0 : index
    %swap3A_52 = arith.constant 0 : index
    %swap3A_53 = vector.load %arg6[%swap3A_51, %swap3A_52] : memref<128x128xi32, #tpu.memory_space<vmem>>, vector<128x128xi32>
    tpu.vector_store %arg6[%swap3A_51, %swap3A_52], %select_n3A_50 {strides = array<i32>} : memref<128x128xi32, #tpu.memory_space<vmem>>, vector<128x128xi32>,
    return
  }
  func.func @transform_0(%arg0: i32) -> (i32, i32, i32) {
    %c0_i32 = arith.constant 0 : i32
    %c0_i32_0 = arith.constant 0 : i32
    %c0_i32_1 = arith.constant 0 : i32
    return %c0_i32, %arg0, %c0_i32_0 : i32, i32, i32
  }
  func.func @transform_1(%arg0: i32) -> (i32, i32, i32) {
    %c1_i32 = arith.constant 1 : i32
    %c0_i32 = arith.constant 0 : i32
    %c0_i32_0 = arith.constant 0 : i32
    return %c1_i32, %arg0, %c0_i32 : i32, i32, i32
  }
  func.func @transform_2(%arg0: i32) -> (i32, i32) {
    %c0_i32 = arith.constant 0 : i32
    %c0_i32_0 = arith.constant 0 : i32
    return %arg0, %c0_i32 : i32, i32
  }
  func.func @transform_3(%arg0: i32) -> (i32, i32) {
    %c0_i32 = arith.constant 0 : i32
    %c0_i32_0 = arith.constant 0 : i32
    return %arg0, %c0_i32 : i32, i32
  }
  func.func @transform_4(%arg0: i32) -> (i32, i32) {
    %c0_i32 = arith.constant 0 : i32
    %c0_i32_0 = arith.constant 0 : i32
    return %arg0, %c0_i32 : i32, i32
  }
  func.func @transform_5(%arg0: i32) -> (i32, i32) {
    %c0_i32 = arith.constant 0 : i32
    %c0_i32_0 = arith.constant 0 : i32
    return %arg0, %c0_i32 : i32, i32
  }
}

module attributes {stable_mosaic.version = 14 : i64} {
  func.func @_mm_body(%arg0: i32, %arg1: memref<1000x128xf32, #tpu.memory_space<vmem>>, %arg2: memref<5x128x128xf32, #tpu.memory_space<vmem>>, %arg3: memref<16x4xf32, #tpu.memory_space<smem>>, %arg4: memref<2x1000x1024xf32, #tpu.memory_space<vmem>>, %arg5: memref<1000x128xf32, #tpu.memory_space<vmem>>) attributes {dimension_semantics = [#tpu.dimension_semantics<arbitrary>], iteration_bounds = array<i64: 10>, scalar_prefetch = 0 : i64, scratch_operands = 0 : i64, tpu.core_type = #tpu.core_type<tc>, window_params = [{transform_indices = @transform_0, window_bounds = array<i64: 1000, 128>}, {pipeline_mode = #tpu.pipeline_mode<synchronous>, transform_indices = @transform_1, window_bounds = array<i64: 5, 128, 128>}, {transform_indices = @transform_2, window_bounds = array<i64: 16, 4>}, {transform_indices = @transform_3, window_bounds = array<i64: 2, 1000, 1024>}, {transform_indices = @transform_4, window_bounds = array<i64: 1000, 128>}]} {
    %get3A = arith.constant 0 : index
    %get3A_0 = arith.constant 0 : index
    %get3A_1 = vector.load %arg1[%get3A, %get3A_0] : memref<1000x128xf32, #tpu.memory_space<vmem>>, vector<1000x128xf32>
    %get3A_2 = arith.constant 0 : index
    %get3A_3 = arith.constant 0 : index
    %get3A_4 = arith.constant 0 : index
    %get3A_5 = vector.load %arg2[%get3A_2, %get3A_3, %get3A_4] : memref<5x128x128xf32, #tpu.memory_space<vmem>>, vector<1x128x128xf32>
    %get3A_6 = vector.shape_cast %get3A_5 : vector<1x128x128xf32> to vector<128x128xf32>
    %dot_general3A = arith.constant dense<0.000000e+00> : vector<1000x128xf32>
    %dot_general3A_7 = tpu.matmul %get3A_1, %get3A_6, %dot_general3A {dimension_numbers = #tpu.dot_dimension_numbers<[1], [0], [0], [1], [0, 0, 1, 1], [], []>, precision = #tpu.contract_precision<fp32>, transpose_lhs_hint = false} : vector<1000x128xf32>, vector<128x128xf32>, vector<1000x128xf32> -> vector<1000x128xf32>
    %get3A_8 = arith.constant 1 : index
    %get3A_9 = arith.constant 0 : index
    %get3A_10 = arith.constant 0 : index
    %get3A_11 = vector.load %arg2[%get3A_8, %get3A_9, %get3A_10] : memref<5x128x128xf32, #tpu.memory_space<vmem>>, vector<1x128x128xf32>
    %get3A_12 = vector.shape_cast %get3A_11 : vector<1x128x128xf32> to vector<128x128xf32>
    %dot_general3A_13 = arith.constant dense<0.000000e+00> : vector<1000x128xf32>
    %dot_general3A_14 = tpu.matmul %get3A_1, %get3A_12, %dot_general3A_13 {dimension_numbers = #tpu.dot_dimension_numbers<[1], [0], [0], [1], [0, 0, 1, 1], [], []>, precision = #tpu.contract_precision<fp32>, transpose_lhs_hint = false} : vector<1000x128xf32>, vector<128x128xf32>, vector<1000x128xf32> -> vector<1000x128xf32>
    %get3A_15 = arith.constant 2 : index
    %get3A_16 = arith.constant 0 : index
    %get3A_17 = arith.constant 0 : index
    %get3A_18 = vector.load %arg2[%get3A_15, %get3A_16, %get3A_17] : memref<5x128x128xf32, #tpu.memory_space<vmem>>, vector<1x128x128xf32>
    %get3A_19 = vector.shape_cast %get3A_18 : vector<1x128x128xf32> to vector<128x128xf32>
    %dot_general3A_20 = arith.constant dense<0.000000e+00> : vector<1000x128xf32>
    %dot_general3A_21 = tpu.matmul %get3A_1, %get3A_19, %dot_general3A_20 {dimension_numbers = #tpu.dot_dimension_numbers<[1], [0], [0], [1], [0, 0, 1, 1], [], []>, precision = #tpu.contract_precision<fp32>, transpose_lhs_hint = false} : vector<1000x128xf32>, vector<128x128xf32>, vector<1000x128xf32> -> vector<1000x128xf32>
    %get3A_22 = arith.constant 3 : index
    %get3A_23 = arith.constant 0 : index
    %get3A_24 = arith.constant 0 : index
    %get3A_25 = vector.load %arg2[%get3A_22, %get3A_23, %get3A_24] : memref<5x128x128xf32, #tpu.memory_space<vmem>>, vector<1x128x128xf32>
    %get3A_26 = vector.shape_cast %get3A_25 : vector<1x128x128xf32> to vector<128x128xf32>
    %dot_general3A_27 = arith.constant dense<0.000000e+00> : vector<1000x128xf32>
    %dot_general3A_28 = tpu.matmul %get3A_1, %get3A_26, %dot_general3A_27 {dimension_numbers = #tpu.dot_dimension_numbers<[1], [0], [0], [1], [0, 0, 1, 1], [], []>, precision = #tpu.contract_precision<fp32>, transpose_lhs_hint = false} : vector<1000x128xf32>, vector<128x128xf32>, vector<1000x128xf32> -> vector<1000x128xf32>
    %get3A_29 = arith.constant 4 : index
    %get3A_30 = arith.constant 0 : index
    %get3A_31 = arith.constant 0 : index
    %get3A_32 = vector.load %arg2[%get3A_29, %get3A_30, %get3A_31] : memref<5x128x128xf32, #tpu.memory_space<vmem>>, vector<1x128x128xf32>
    %get3A_33 = vector.shape_cast %get3A_32 : vector<1x128x128xf32> to vector<128x128xf32>
    %dot_general3A_34 = arith.constant dense<0.000000e+00> : vector<1000x128xf32>
    %dot_general3A_35 = tpu.matmul %get3A_1, %get3A_33, %dot_general3A_34 {dimension_numbers = #tpu.dot_dimension_numbers<[1], [0], [0], [1], [0, 0, 1, 1], [], []>, precision = #tpu.contract_precision<fp32>, transpose_lhs_hint = false} : vector<1000x128xf32>, vector<128x128xf32>, vector<1000x128xf32> -> vector<1000x128xf32>
    %swap3A = arith.constant 0 : index
    %swap3A_36 = arith.constant 0 : index
    %swap3A_37 = vector.load %arg5[%swap3A, %swap3A_36] : memref<1000x128xf32, #tpu.memory_space<vmem>>, vector<1000x128xf32>
    tpu.vector_store %arg5[%swap3A, %swap3A_36], %dot_general3A_35 {strides = array<i32>} : memref<1000x128xf32, #tpu.memory_space<vmem>>, vector<1000x128xf32>,
    %get3A_38 = arith.constant 0 : index
    %get3A_39 = arith.constant 0 : index
    %get3A_40 = memref.load %arg3[%get3A_38, %get3A_39] : memref<16x4xf32, #tpu.memory_space<smem>>
    %mul3A = vector.broadcast %get3A_40 : f32 to vector<1000x128xf32>
    %mul3A_41 = arith.mulf %mul3A, %dot_general3A_7 : vector<1000x128xf32>
    %get3A_42 = arith.constant 0 : index
    %get3A_43 = arith.constant 1 : index
    %get3A_44 = memref.load %arg3[%get3A_42, %get3A_43] : memref<16x4xf32, #tpu.memory_space<smem>>
    %mul3A_45 = vector.broadcast %get3A_44 : f32 to vector<1000x128xf32>
    %mul3A_46 = arith.mulf %mul3A_45, %dot_general3A_14 : vector<1000x128xf32>
    %add3A = arith.addf %mul3A_41, %mul3A_46 : vector<1000x128xf32>
    %get3A_47 = arith.constant 0 : index
    %get3A_48 = arith.constant 2 : index
    %get3A_49 = memref.load %arg3[%get3A_47, %get3A_48] : memref<16x4xf32, #tpu.memory_space<smem>>
    %mul3A_50 = vector.broadcast %get3A_49 : f32 to vector<1000x128xf32>
    %mul3A_51 = arith.mulf %mul3A_50, %dot_general3A_21 : vector<1000x128xf32>
    %add3A_52 = arith.addf %add3A, %mul3A_51 : vector<1000x128xf32>
    %get3A_53 = arith.constant 0 : index
    %get3A_54 = arith.constant 3 : index
    %get3A_55 = memref.load %arg3[%get3A_53, %get3A_54] : memref<16x4xf32, #tpu.memory_space<smem>>
    %mul3A_56 = vector.broadcast %get3A_55 : f32 to vector<1000x128xf32>
    %mul3A_57 = arith.mulf %mul3A_56, %dot_general3A_28 : vector<1000x128xf32>
    %add3A_58 = arith.addf %add3A_52, %mul3A_57 : vector<1000x128xf32>
    %get3A_59 = arith.constant 1 : index
    %get3A_60 = arith.constant 0 : index
    %get3A_61 = memref.load %arg3[%get3A_59, %get3A_60] : memref<16x4xf32, #tpu.memory_space<smem>>
    %mul3A_62 = vector.broadcast %get3A_61 : f32 to vector<1000x128xf32>
    %mul3A_63 = arith.mulf %mul3A_62, %dot_general3A_7 : vector<1000x128xf32>
    %get3A_64 = arith.constant 1 : index
    %get3A_65 = arith.constant 1 : index
    %get3A_66 = memref.load %arg3[%get3A_64, %get3A_65] : memref<16x4xf32, #tpu.memory_space<smem>>
    %mul3A_67 = vector.broadcast %get3A_66 : f32 to vector<1000x128xf32>
    %mul3A_68 = arith.mulf %mul3A_67, %dot_general3A_14 : vector<1000x128xf32>
    %add3A_69 = arith.addf %mul3A_63, %mul3A_68 : vector<1000x128xf32>
    %get3A_70 = arith.constant 1 : index
    %get3A_71 = arith.constant 2 : index
    %get3A_72 = memref.load %arg3[%get3A_70, %get3A_71] : memref<16x4xf32, #tpu.memory_space<smem>>
    %mul3A_73 = vector.broadcast %get3A_72 : f32 to vector<1000x128xf32>
    %mul3A_74 = arith.mulf %mul3A_73, %dot_general3A_21 : vector<1000x128xf32>
    %add3A_75 = arith.addf %add3A_69, %mul3A_74 : vector<1000x128xf32>
    %get3A_76 = arith.constant 1 : index
    %get3A_77 = arith.constant 3 : index
    %get3A_78 = memref.load %arg3[%get3A_76, %get3A_77] : memref<16x4xf32, #tpu.memory_space<smem>>
    %mul3A_79 = vector.broadcast %get3A_78 : f32 to vector<1000x128xf32>
    %mul3A_80 = arith.mulf %mul3A_79, %dot_general3A_28 : vector<1000x128xf32>
    %add3A_81 = arith.addf %add3A_75, %mul3A_80 : vector<1000x128xf32>
    %get3A_82 = arith.constant 2 : index
    %get3A_83 = arith.constant 0 : index
    %get3A_84 = memref.load %arg3[%get3A_82, %get3A_83] : memref<16x4xf32, #tpu.memory_space<smem>>
    %mul3A_85 = vector.broadcast %get3A_84 : f32 to vector<1000x128xf32>
    %mul3A_86 = arith.mulf %mul3A_85, %dot_general3A_7 : vector<1000x128xf32>
    %get3A_87 = arith.constant 2 : index
    %get3A_88 = arith.constant 1 : index
    %get3A_89 = memref.load %arg3[%get3A_87, %get3A_88] : memref<16x4xf32, #tpu.memory_space<smem>>
    %mul3A_90 = vector.broadcast %get3A_89 : f32 to vector<1000x128xf32>
    %mul3A_91 = arith.mulf %mul3A_90, %dot_general3A_14 : vector<1000x128xf32>
    %add3A_92 = arith.addf %mul3A_86, %mul3A_91 : vector<1000x128xf32>
    %get3A_93 = arith.constant 2 : index
    %get3A_94 = arith.constant 2 : index
    %get3A_95 = memref.load %arg3[%get3A_93, %get3A_94] : memref<16x4xf32, #tpu.memory_space<smem>>
    %mul3A_96 = vector.broadcast %get3A_95 : f32 to vector<1000x128xf32>
    %mul3A_97 = arith.mulf %mul3A_96, %dot_general3A_21 : vector<1000x128xf32>
    %add3A_98 = arith.addf %add3A_92, %mul3A_97 : vector<1000x128xf32>
    %get3A_99 = arith.constant 2 : index
    %get3A_100 = arith.constant 3 : index
    %get3A_101 = memref.load %arg3[%get3A_99, %get3A_100] : memref<16x4xf32, #tpu.memory_space<smem>>
    %mul3A_102 = vector.broadcast %get3A_101 : f32 to vector<1000x128xf32>
    %mul3A_103 = arith.mulf %mul3A_102, %dot_general3A_28 : vector<1000x128xf32>
    %add3A_104 = arith.addf %add3A_98, %mul3A_103 : vector<1000x128xf32>
    %get3A_105 = arith.constant 3 : index
    %get3A_106 = arith.constant 0 : index
    %get3A_107 = memref.load %arg3[%get3A_105, %get3A_106] : memref<16x4xf32, #tpu.memory_space<smem>>
    %mul3A_108 = vector.broadcast %get3A_107 : f32 to vector<1000x128xf32>
    %mul3A_109 = arith.mulf %mul3A_108, %dot_general3A_7 : vector<1000x128xf32>
    %get3A_110 = arith.constant 3 : index
    %get3A_111 = arith.constant 1 : index
    %get3A_112 = memref.load %arg3[%get3A_110, %get3A_111] : memref<16x4xf32, #tpu.memory_space<smem>>
    %mul3A_113 = vector.broadcast %get3A_112 : f32 to vector<1000x128xf32>
    %mul3A_114 = arith.mulf %mul3A_113, %dot_general3A_14 : vector<1000x128xf32>
    %add3A_115 = arith.addf %mul3A_109, %mul3A_114 : vector<1000x128xf32>
    %get3A_116 = arith.constant 3 : index
    %get3A_117 = arith.constant 2 : index
    %get3A_118 = memref.load %arg3[%get3A_116, %get3A_117] : memref<16x4xf32, #tpu.memory_space<smem>>
    %mul3A_119 = vector.broadcast %get3A_118 : f32 to vector<1000x128xf32>
    %mul3A_120 = arith.mulf %mul3A_119, %dot_general3A_21 : vector<1000x128xf32>
    %add3A_121 = arith.addf %add3A_115, %mul3A_120 : vector<1000x128xf32>
    %get3A_122 = arith.constant 3 : index
    %get3A_123 = arith.constant 3 : index
    %get3A_124 = memref.load %arg3[%get3A_122, %get3A_123] : memref<16x4xf32, #tpu.memory_space<smem>>
    %mul3A_125 = vector.broadcast %get3A_124 : f32 to vector<1000x128xf32>
    %mul3A_126 = arith.mulf %mul3A_125, %dot_general3A_28 : vector<1000x128xf32>
    %add3A_127 = arith.addf %add3A_121, %mul3A_126 : vector<1000x128xf32>
    %get3A_128 = arith.constant 4 : index
    %get3A_129 = arith.constant 0 : index
    %get3A_130 = memref.load %arg3[%get3A_128, %get3A_129] : memref<16x4xf32, #tpu.memory_space<smem>>
    %mul3A_131 = vector.broadcast %get3A_130 : f32 to vector<1000x128xf32>
    %mul3A_132 = arith.mulf %mul3A_131, %dot_general3A_7 : vector<1000x128xf32>
    %get3A_133 = arith.constant 4 : index
    %get3A_134 = arith.constant 1 : index
    %get3A_135 = memref.load %arg3[%get3A_133, %get3A_134] : memref<16x4xf32, #tpu.memory_space<smem>>
    %mul3A_136 = vector.broadcast %get3A_135 : f32 to vector<1000x128xf32>
    %mul3A_137 = arith.mulf %mul3A_136, %dot_general3A_14 : vector<1000x128xf32>
    %add3A_138 = arith.addf %mul3A_132, %mul3A_137 : vector<1000x128xf32>
    %get3A_139 = arith.constant 4 : index
    %get3A_140 = arith.constant 2 : index
    %get3A_141 = memref.load %arg3[%get3A_139, %get3A_140] : memref<16x4xf32, #tpu.memory_space<smem>>
    %mul3A_142 = vector.broadcast %get3A_141 : f32 to vector<1000x128xf32>
    %mul3A_143 = arith.mulf %mul3A_142, %dot_general3A_21 : vector<1000x128xf32>
    %add3A_144 = arith.addf %add3A_138, %mul3A_143 : vector<1000x128xf32>
    %get3A_145 = arith.constant 4 : index
    %get3A_146 = arith.constant 3 : index
    %get3A_147 = memref.load %arg3[%get3A_145, %get3A_146] : memref<16x4xf32, #tpu.memory_space<smem>>
    %mul3A_148 = vector.broadcast %get3A_147 : f32 to vector<1000x128xf32>
    %mul3A_149 = arith.mulf %mul3A_148, %dot_general3A_28 : vector<1000x128xf32>
    %add3A_150 = arith.addf %add3A_144, %mul3A_149 : vector<1000x128xf32>
    %get3A_151 = arith.constant 5 : index
    %get3A_152 = arith.constant 0 : index
    %get3A_153 = memref.load %arg3[%get3A_151, %get3A_152] : memref<16x4xf32, #tpu.memory_space<smem>>
    %mul3A_154 = vector.broadcast %get3A_153 : f32 to vector<1000x128xf32>
    %mul3A_155 = arith.mulf %mul3A_154, %dot_general3A_7 : vector<1000x128xf32>
    %get3A_156 = arith.constant 5 : index
    %get3A_157 = arith.constant 1 : index
    %get3A_158 = memref.load %arg3[%get3A_156, %get3A_157] : memref<16x4xf32, #tpu.memory_space<smem>>
    %mul3A_159 = vector.broadcast %get3A_158 : f32 to vector<1000x128xf32>
    %mul3A_160 = arith.mulf %mul3A_159, %dot_general3A_14 : vector<1000x128xf32>
    %add3A_161 = arith.addf %mul3A_155, %mul3A_160 : vector<1000x128xf32>
    %get3A_162 = arith.constant 5 : index
    %get3A_163 = arith.constant 2 : index
    %get3A_164 = memref.load %arg3[%get3A_162, %get3A_163] : memref<16x4xf32, #tpu.memory_space<smem>>
    %mul3A_165 = vector.broadcast %get3A_164 : f32 to vector<1000x128xf32>
    %mul3A_166 = arith.mulf %mul3A_165, %dot_general3A_21 : vector<1000x128xf32>
    %add3A_167 = arith.addf %add3A_161, %mul3A_166 : vector<1000x128xf32>
    %get3A_168 = arith.constant 5 : index
    %get3A_169 = arith.constant 3 : index
    %get3A_170 = memref.load %arg3[%get3A_168, %get3A_169] : memref<16x4xf32, #tpu.memory_space<smem>>
    %mul3A_171 = vector.broadcast %get3A_170 : f32 to vector<1000x128xf32>
    %mul3A_172 = arith.mulf %mul3A_171, %dot_general3A_28 : vector<1000x128xf32>
    %add3A_173 = arith.addf %add3A_167, %mul3A_172 : vector<1000x128xf32>
    %get3A_174 = arith.constant 6 : index
    %get3A_175 = arith.constant 0 : index
    %get3A_176 = memref.load %arg3[%get3A_174, %get3A_175] : memref<16x4xf32, #tpu.memory_space<smem>>
    %mul3A_177 = vector.broadcast %get3A_176 : f32 to vector<1000x128xf32>
    %mul3A_178 = arith.mulf %mul3A_177, %dot_general3A_7 : vector<1000x128xf32>
    %get3A_179 = arith.constant 6 : index
    %get3A_180 = arith.constant 1 : index
    %get3A_181 = memref.load %arg3[%get3A_179, %get3A_180] : memref<16x4xf32, #tpu.memory_space<smem>>
    %mul3A_182 = vector.broadcast %get3A_181 : f32 to vector<1000x128xf32>
    %mul3A_183 = arith.mulf %mul3A_182, %dot_general3A_14 : vector<1000x128xf32>
    %add3A_184 = arith.addf %mul3A_178, %mul3A_183 : vector<1000x128xf32>
    %get3A_185 = arith.constant 6 : index
    %get3A_186 = arith.constant 2 : index
    %get3A_187 = memref.load %arg3[%get3A_185, %get3A_186] : memref<16x4xf32, #tpu.memory_space<smem>>
    %mul3A_188 = vector.broadcast %get3A_187 : f32 to vector<1000x128xf32>
    %mul3A_189 = arith.mulf %mul3A_188, %dot_general3A_21 : vector<1000x128xf32>
    %add3A_190 = arith.addf %add3A_184, %mul3A_189 : vector<1000x128xf32>
    %get3A_191 = arith.constant 6 : index
    %get3A_192 = arith.constant 3 : index
    %get3A_193 = memref.load %arg3[%get3A_191, %get3A_192] : memref<16x4xf32, #tpu.memory_space<smem>>
    %mul3A_194 = vector.broadcast %get3A_193 : f32 to vector<1000x128xf32>
    %mul3A_195 = arith.mulf %mul3A_194, %dot_general3A_28 : vector<1000x128xf32>
    %add3A_196 = arith.addf %add3A_190, %mul3A_195 : vector<1000x128xf32>
    %get3A_197 = arith.constant 7 : index
    %get3A_198 = arith.constant 0 : index
    %get3A_199 = memref.load %arg3[%get3A_197, %get3A_198] : memref<16x4xf32, #tpu.memory_space<smem>>
    %mul3A_200 = vector.broadcast %get3A_199 : f32 to vector<1000x128xf32>
    %mul3A_201 = arith.mulf %mul3A_200, %dot_general3A_7 : vector<1000x128xf32>
    %get3A_202 = arith.constant 7 : index
    %get3A_203 = arith.constant 1 : index
    %get3A_204 = memref.load %arg3[%get3A_202, %get3A_203] : memref<16x4xf32, #tpu.memory_space<smem>>
    %mul3A_205 = vector.broadcast %get3A_204 : f32 to vector<1000x128xf32>
    %mul3A_206 = arith.mulf %mul3A_205, %dot_general3A_14 : vector<1000x128xf32>
    %add3A_207 = arith.addf %mul3A_201, %mul3A_206 : vector<1000x128xf32>
    %get3A_208 = arith.constant 7 : index
    %get3A_209 = arith.constant 2 : index
    %get3A_210 = memref.load %arg3[%get3A_208, %get3A_209] : memref<16x4xf32, #tpu.memory_space<smem>>
    %mul3A_211 = vector.broadcast %get3A_210 : f32 to vector<1000x128xf32>
    %mul3A_212 = arith.mulf %mul3A_211, %dot_general3A_21 : vector<1000x128xf32>
    %add3A_213 = arith.addf %add3A_207, %mul3A_212 : vector<1000x128xf32>
    %get3A_214 = arith.constant 7 : index
    %get3A_215 = arith.constant 3 : index
    %get3A_216 = memref.load %arg3[%get3A_214, %get3A_215] : memref<16x4xf32, #tpu.memory_space<smem>>
    %mul3A_217 = vector.broadcast %get3A_216 : f32 to vector<1000x128xf32>
    %mul3A_218 = arith.mulf %mul3A_217, %dot_general3A_28 : vector<1000x128xf32>
    %add3A_219 = arith.addf %add3A_213, %mul3A_218 : vector<1000x128xf32>
    %get3A_220 = arith.constant 8 : index
    %get3A_221 = arith.constant 0 : index
    %get3A_222 = memref.load %arg3[%get3A_220, %get3A_221] : memref<16x4xf32, #tpu.memory_space<smem>>
    %mul3A_223 = vector.broadcast %get3A_222 : f32 to vector<1000x128xf32>
    %mul3A_224 = arith.mulf %mul3A_223, %dot_general3A_7 : vector<1000x128xf32>
    %get3A_225 = arith.constant 8 : index
    %get3A_226 = arith.constant 1 : index
    %get3A_227 = memref.load %arg3[%get3A_225, %get3A_226] : memref<16x4xf32, #tpu.memory_space<smem>>
    %mul3A_228 = vector.broadcast %get3A_227 : f32 to vector<1000x128xf32>
    %mul3A_229 = arith.mulf %mul3A_228, %dot_general3A_14 : vector<1000x128xf32>
    %add3A_230 = arith.addf %mul3A_224, %mul3A_229 : vector<1000x128xf32>
    %get3A_231 = arith.constant 8 : index
    %get3A_232 = arith.constant 2 : index
    %get3A_233 = memref.load %arg3[%get3A_231, %get3A_232] : memref<16x4xf32, #tpu.memory_space<smem>>
    %mul3A_234 = vector.broadcast %get3A_233 : f32 to vector<1000x128xf32>
    %mul3A_235 = arith.mulf %mul3A_234, %dot_general3A_21 : vector<1000x128xf32>
    %add3A_236 = arith.addf %add3A_230, %mul3A_235 : vector<1000x128xf32>
    %get3A_237 = arith.constant 8 : index
    %get3A_238 = arith.constant 3 : index
    %get3A_239 = memref.load %arg3[%get3A_237, %get3A_238] : memref<16x4xf32, #tpu.memory_space<smem>>
    %mul3A_240 = vector.broadcast %get3A_239 : f32 to vector<1000x128xf32>
    %mul3A_241 = arith.mulf %mul3A_240, %dot_general3A_28 : vector<1000x128xf32>
    %add3A_242 = arith.addf %add3A_236, %mul3A_241 : vector<1000x128xf32>
    %get3A_243 = arith.constant 9 : index
    %get3A_244 = arith.constant 0 : index
    %get3A_245 = memref.load %arg3[%get3A_243, %get3A_244] : memref<16x4xf32, #tpu.memory_space<smem>>
    %mul3A_246 = vector.broadcast %get3A_245 : f32 to vector<1000x128xf32>
    %mul3A_247 = arith.mulf %mul3A_246, %dot_general3A_7 : vector<1000x128xf32>
    %get3A_248 = arith.constant 9 : index
    %get3A_249 = arith.constant 1 : index
    %get3A_250 = memref.load %arg3[%get3A_248, %get3A_249] : memref<16x4xf32, #tpu.memory_space<smem>>
    %mul3A_251 = vector.broadcast %get3A_250 : f32 to vector<1000x128xf32>
    %mul3A_252 = arith.mulf %mul3A_251, %dot_general3A_14 : vector<1000x128xf32>
    %add3A_253 = arith.addf %mul3A_247, %mul3A_252 : vector<1000x128xf32>
    %get3A_254 = arith.constant 9 : index
    %get3A_255 = arith.constant 2 : index
    %get3A_256 = memref.load %arg3[%get3A_254, %get3A_255] : memref<16x4xf32, #tpu.memory_space<smem>>
    %mul3A_257 = vector.broadcast %get3A_256 : f32 to vector<1000x128xf32>
    %mul3A_258 = arith.mulf %mul3A_257, %dot_general3A_21 : vector<1000x128xf32>
    %add3A_259 = arith.addf %add3A_253, %mul3A_258 : vector<1000x128xf32>
    %get3A_260 = arith.constant 9 : index
    %get3A_261 = arith.constant 3 : index
    %get3A_262 = memref.load %arg3[%get3A_260, %get3A_261] : memref<16x4xf32, #tpu.memory_space<smem>>
    %mul3A_263 = vector.broadcast %get3A_262 : f32 to vector<1000x128xf32>
    %mul3A_264 = arith.mulf %mul3A_263, %dot_general3A_28 : vector<1000x128xf32>
    %add3A_265 = arith.addf %add3A_259, %mul3A_264 : vector<1000x128xf32>
    %get3A_266 = arith.constant 10 : index
    %get3A_267 = arith.constant 0 : index
    %get3A_268 = memref.load %arg3[%get3A_266, %get3A_267] : memref<16x4xf32, #tpu.memory_space<smem>>
    %mul3A_269 = vector.broadcast %get3A_268 : f32 to vector<1000x128xf32>
    %mul3A_270 = arith.mulf %mul3A_269, %dot_general3A_7 : vector<1000x128xf32>
    %get3A_271 = arith.constant 10 : index
    %get3A_272 = arith.constant 1 : index
    %get3A_273 = memref.load %arg3[%get3A_271, %get3A_272] : memref<16x4xf32, #tpu.memory_space<smem>>
    %mul3A_274 = vector.broadcast %get3A_273 : f32 to vector<1000x128xf32>
    %mul3A_275 = arith.mulf %mul3A_274, %dot_general3A_14 : vector<1000x128xf32>
    %add3A_276 = arith.addf %mul3A_270, %mul3A_275 : vector<1000x128xf32>
    %get3A_277 = arith.constant 10 : index
    %get3A_278 = arith.constant 2 : index
    %get3A_279 = memref.load %arg3[%get3A_277, %get3A_278] : memref<16x4xf32, #tpu.memory_space<smem>>
    %mul3A_280 = vector.broadcast %get3A_279 : f32 to vector<1000x128xf32>
    %mul3A_281 = arith.mulf %mul3A_280, %dot_general3A_21 : vector<1000x128xf32>
    %add3A_282 = arith.addf %add3A_276, %mul3A_281 : vector<1000x128xf32>
    %get3A_283 = arith.constant 10 : index
    %get3A_284 = arith.constant 3 : index
    %get3A_285 = memref.load %arg3[%get3A_283, %get3A_284] : memref<16x4xf32, #tpu.memory_space<smem>>
    %mul3A_286 = vector.broadcast %get3A_285 : f32 to vector<1000x128xf32>
    %mul3A_287 = arith.mulf %mul3A_286, %dot_general3A_28 : vector<1000x128xf32>
    %add3A_288 = arith.addf %add3A_282, %mul3A_287 : vector<1000x128xf32>
    %get3A_289 = arith.constant 11 : index
    %get3A_290 = arith.constant 0 : index
    %get3A_291 = memref.load %arg3[%get3A_289, %get3A_290] : memref<16x4xf32, #tpu.memory_space<smem>>
    %mul3A_292 = vector.broadcast %get3A_291 : f32 to vector<1000x128xf32>
    %mul3A_293 = arith.mulf %mul3A_292, %dot_general3A_7 : vector<1000x128xf32>
    %get3A_294 = arith.constant 11 : index
    %get3A_295 = arith.constant 1 : index
    %get3A_296 = memref.load %arg3[%get3A_294, %get3A_295] : memref<16x4xf32, #tpu.memory_space<smem>>
    %mul3A_297 = vector.broadcast %get3A_296 : f32 to vector<1000x128xf32>
    %mul3A_298 = arith.mulf %mul3A_297, %dot_general3A_14 : vector<1000x128xf32>
    %add3A_299 = arith.addf %mul3A_293, %mul3A_298 : vector<1000x128xf32>
    %get3A_300 = arith.constant 11 : index
    %get3A_301 = arith.constant 2 : index
    %get3A_302 = memref.load %arg3[%get3A_300, %get3A_301] : memref<16x4xf32, #tpu.memory_space<smem>>
    %mul3A_303 = vector.broadcast %get3A_302 : f32 to vector<1000x128xf32>
    %mul3A_304 = arith.mulf %mul3A_303, %dot_general3A_21 : vector<1000x128xf32>
    %add3A_305 = arith.addf %add3A_299, %mul3A_304 : vector<1000x128xf32>
    %get3A_306 = arith.constant 11 : index
    %get3A_307 = arith.constant 3 : index
    %get3A_308 = memref.load %arg3[%get3A_306, %get3A_307] : memref<16x4xf32, #tpu.memory_space<smem>>
    %mul3A_309 = vector.broadcast %get3A_308 : f32 to vector<1000x128xf32>
    %mul3A_310 = arith.mulf %mul3A_309, %dot_general3A_28 : vector<1000x128xf32>
    %add3A_311 = arith.addf %add3A_305, %mul3A_310 : vector<1000x128xf32>
    %get3A_312 = arith.constant 12 : index
    %get3A_313 = arith.constant 0 : index
    %get3A_314 = memref.load %arg3[%get3A_312, %get3A_313] : memref<16x4xf32, #tpu.memory_space<smem>>
    %mul3A_315 = vector.broadcast %get3A_314 : f32 to vector<1000x128xf32>
    %mul3A_316 = arith.mulf %mul3A_315, %dot_general3A_7 : vector<1000x128xf32>
    %get3A_317 = arith.constant 12 : index
    %get3A_318 = arith.constant 1 : index
    %get3A_319 = memref.load %arg3[%get3A_317, %get3A_318] : memref<16x4xf32, #tpu.memory_space<smem>>
    %mul3A_320 = vector.broadcast %get3A_319 : f32 to vector<1000x128xf32>
    %mul3A_321 = arith.mulf %mul3A_320, %dot_general3A_14 : vector<1000x128xf32>
    %add3A_322 = arith.addf %mul3A_316, %mul3A_321 : vector<1000x128xf32>
    %get3A_323 = arith.constant 12 : index
    %get3A_324 = arith.constant 2 : index
    %get3A_325 = memref.load %arg3[%get3A_323, %get3A_324] : memref<16x4xf32, #tpu.memory_space<smem>>
    %mul3A_326 = vector.broadcast %get3A_325 : f32 to vector<1000x128xf32>
    %mul3A_327 = arith.mulf %mul3A_326, %dot_general3A_21 : vector<1000x128xf32>
    %add3A_328 = arith.addf %add3A_322, %mul3A_327 : vector<1000x128xf32>
    %get3A_329 = arith.constant 12 : index
    %get3A_330 = arith.constant 3 : index
    %get3A_331 = memref.load %arg3[%get3A_329, %get3A_330] : memref<16x4xf32, #tpu.memory_space<smem>>
    %mul3A_332 = vector.broadcast %get3A_331 : f32 to vector<1000x128xf32>
    %mul3A_333 = arith.mulf %mul3A_332, %dot_general3A_28 : vector<1000x128xf32>
    %add3A_334 = arith.addf %add3A_328, %mul3A_333 : vector<1000x128xf32>
    %get3A_335 = arith.constant 13 : index
    %get3A_336 = arith.constant 0 : index
    %get3A_337 = memref.load %arg3[%get3A_335, %get3A_336] : memref<16x4xf32, #tpu.memory_space<smem>>
    %mul3A_338 = vector.broadcast %get3A_337 : f32 to vector<1000x128xf32>
    %mul3A_339 = arith.mulf %mul3A_338, %dot_general3A_7 : vector<1000x128xf32>
    %get3A_340 = arith.constant 13 : index
    %get3A_341 = arith.constant 1 : index
    %get3A_342 = memref.load %arg3[%get3A_340, %get3A_341] : memref<16x4xf32, #tpu.memory_space<smem>>
    %mul3A_343 = vector.broadcast %get3A_342 : f32 to vector<1000x128xf32>
    %mul3A_344 = arith.mulf %mul3A_343, %dot_general3A_14 : vector<1000x128xf32>
    %add3A_345 = arith.addf %mul3A_339, %mul3A_344 : vector<1000x128xf32>
    %get3A_346 = arith.constant 13 : index
    %get3A_347 = arith.constant 2 : index
    %get3A_348 = memref.load %arg3[%get3A_346, %get3A_347] : memref<16x4xf32, #tpu.memory_space<smem>>
    %mul3A_349 = vector.broadcast %get3A_348 : f32 to vector<1000x128xf32>
    %mul3A_350 = arith.mulf %mul3A_349, %dot_general3A_21 : vector<1000x128xf32>
    %add3A_351 = arith.addf %add3A_345, %mul3A_350 : vector<1000x128xf32>
    %get3A_352 = arith.constant 13 : index
    %get3A_353 = arith.constant 3 : index
    %get3A_354 = memref.load %arg3[%get3A_352, %get3A_353] : memref<16x4xf32, #tpu.memory_space<smem>>
    %mul3A_355 = vector.broadcast %get3A_354 : f32 to vector<1000x128xf32>
    %mul3A_356 = arith.mulf %mul3A_355, %dot_general3A_28 : vector<1000x128xf32>
    %add3A_357 = arith.addf %add3A_351, %mul3A_356 : vector<1000x128xf32>
    %get3A_358 = arith.constant 14 : index
    %get3A_359 = arith.constant 0 : index
    %get3A_360 = memref.load %arg3[%get3A_358, %get3A_359] : memref<16x4xf32, #tpu.memory_space<smem>>
    %mul3A_361 = vector.broadcast %get3A_360 : f32 to vector<1000x128xf32>
    %mul3A_362 = arith.mulf %mul3A_361, %dot_general3A_7 : vector<1000x128xf32>
    %get3A_363 = arith.constant 14 : index
    %get3A_364 = arith.constant 1 : index
    %get3A_365 = memref.load %arg3[%get3A_363, %get3A_364] : memref<16x4xf32, #tpu.memory_space<smem>>
    %mul3A_366 = vector.broadcast %get3A_365 : f32 to vector<1000x128xf32>
    %mul3A_367 = arith.mulf %mul3A_366, %dot_general3A_14 : vector<1000x128xf32>
    %add3A_368 = arith.addf %mul3A_362, %mul3A_367 : vector<1000x128xf32>
    %get3A_369 = arith.constant 14 : index
    %get3A_370 = arith.constant 2 : index
    %get3A_371 = memref.load %arg3[%get3A_369, %get3A_370] : memref<16x4xf32, #tpu.memory_space<smem>>
    %mul3A_372 = vector.broadcast %get3A_371 : f32 to vector<1000x128xf32>
    %mul3A_373 = arith.mulf %mul3A_372, %dot_general3A_21 : vector<1000x128xf32>
    %add3A_374 = arith.addf %add3A_368, %mul3A_373 : vector<1000x128xf32>
    %get3A_375 = arith.constant 14 : index
    %get3A_376 = arith.constant 3 : index
    %get3A_377 = memref.load %arg3[%get3A_375, %get3A_376] : memref<16x4xf32, #tpu.memory_space<smem>>
    %mul3A_378 = vector.broadcast %get3A_377 : f32 to vector<1000x128xf32>
    %mul3A_379 = arith.mulf %mul3A_378, %dot_general3A_28 : vector<1000x128xf32>
    %add3A_380 = arith.addf %add3A_374, %mul3A_379 : vector<1000x128xf32>
    %get3A_381 = arith.constant 15 : index
    %get3A_382 = arith.constant 0 : index
    %get3A_383 = memref.load %arg3[%get3A_381, %get3A_382] : memref<16x4xf32, #tpu.memory_space<smem>>
    %mul3A_384 = vector.broadcast %get3A_383 : f32 to vector<1000x128xf32>
    %mul3A_385 = arith.mulf %mul3A_384, %dot_general3A_7 : vector<1000x128xf32>
    %get3A_386 = arith.constant 15 : index
    %get3A_387 = arith.constant 1 : index
    %get3A_388 = memref.load %arg3[%get3A_386, %get3A_387] : memref<16x4xf32, #tpu.memory_space<smem>>
    %mul3A_389 = vector.broadcast %get3A_388 : f32 to vector<1000x128xf32>
    %mul3A_390 = arith.mulf %mul3A_389, %dot_general3A_14 : vector<1000x128xf32>
    %add3A_391 = arith.addf %mul3A_385, %mul3A_390 : vector<1000x128xf32>
    %get3A_392 = arith.constant 15 : index
    %get3A_393 = arith.constant 2 : index
    %get3A_394 = memref.load %arg3[%get3A_392, %get3A_393] : memref<16x4xf32, #tpu.memory_space<smem>>
    %mul3A_395 = vector.broadcast %get3A_394 : f32 to vector<1000x128xf32>
    %mul3A_396 = arith.mulf %mul3A_395, %dot_general3A_21 : vector<1000x128xf32>
    %add3A_397 = arith.addf %add3A_391, %mul3A_396 : vector<1000x128xf32>
    %get3A_398 = arith.constant 15 : index
    %get3A_399 = arith.constant 3 : index
    %get3A_400 = memref.load %arg3[%get3A_398, %get3A_399] : memref<16x4xf32, #tpu.memory_space<smem>>
    %mul3A_401 = vector.broadcast %get3A_400 : f32 to vector<1000x128xf32>
    %mul3A_402 = arith.mulf %mul3A_401, %dot_general3A_28 : vector<1000x128xf32>
    %add3A_403 = arith.addf %add3A_397, %mul3A_402 : vector<1000x128xf32>
    %slice3A = vector.extract_strided_slice %add3A_58 {offsets = [0, 0], sizes = [1000, 64], strides = [1, 1]} : vector<1000x128xf32> to vector<1000x64xf32>
    %slice3A_404 = vector.extract_strided_slice %add3A_81 {offsets = [0, 0], sizes = [1000, 64], strides = [1, 1]} : vector<1000x128xf32> to vector<1000x64xf32>
    %concatenate3A = tpu.concatenate %slice3A, %slice3A_404 in 1 : vector<1000x64xf32>, vector<1000x64xf32> -> vector<1000x128xf32>
    %swap3A_405 = arith.constant 0 : index
    %swap3A_406 = arith.constant 0 : index
    %swap3A_407 = arith.constant 0 : index
    %swap3A_408 = vector.load %arg4[%swap3A_405, %swap3A_406, %swap3A_407] : memref<2x1000x1024xf32, #tpu.memory_space<vmem>>, vector<1x1000x128xf32>
    %swap3A_409 = vector.shape_cast %swap3A_408 : vector<1x1000x128xf32> to vector<1000x128xf32>
    %swap3A_410 = vector.shape_cast %concatenate3A : vector<1000x128xf32> to vector<1x1000x128xf32>
    tpu.vector_store %arg4[%swap3A_405, %swap3A_406, %swap3A_407], %swap3A_410 {strides = array<i32>} : memref<2x1000x1024xf32, #tpu.memory_space<vmem>>, vector<1x1000x128xf32>,
    %slice3A_411 = vector.extract_strided_slice %add3A_104 {offsets = [0, 0], sizes = [1000, 64], strides = [1, 1]} : vector<1000x128xf32> to vector<1000x64xf32>
    %slice3A_412 = vector.extract_strided_slice %add3A_127 {offsets = [0, 0], sizes = [1000, 64], strides = [1, 1]} : vector<1000x128xf32> to vector<1000x64xf32>
    %concatenate3A_413 = tpu.concatenate %slice3A_411, %slice3A_412 in 1 : vector<1000x64xf32>, vector<1000x64xf32> -> vector<1000x128xf32>
    %swap3A_414 = arith.constant 0 : index
    %swap3A_415 = arith.constant 0 : index
    %swap3A_416 = arith.constant 128 : index
    %swap3A_417 = vector.load %arg4[%swap3A_414, %swap3A_415, %swap3A_416] : memref<2x1000x1024xf32, #tpu.memory_space<vmem>>, vector<1x1000x128xf32>
    %swap3A_418 = vector.shape_cast %swap3A_417 : vector<1x1000x128xf32> to vector<1000x128xf32>
    %swap3A_419 = vector.shape_cast %concatenate3A_413 : vector<1000x128xf32> to vector<1x1000x128xf32>
    tpu.vector_store %arg4[%swap3A_414, %swap3A_415, %swap3A_416], %swap3A_419 {strides = array<i32>} : memref<2x1000x1024xf32, #tpu.memory_space<vmem>>, vector<1x1000x128xf32>,
    %slice3A_420 = vector.extract_strided_slice %add3A_150 {offsets = [0, 0], sizes = [1000, 64], strides = [1, 1]} : vector<1000x128xf32> to vector<1000x64xf32>
    %slice3A_421 = vector.extract_strided_slice %add3A_173 {offsets = [0, 0], sizes = [1000, 64], strides = [1, 1]} : vector<1000x128xf32> to vector<1000x64xf32>
    %concatenate3A_422 = tpu.concatenate %slice3A_420, %slice3A_421 in 1 : vector<1000x64xf32>, vector<1000x64xf32> -> vector<1000x128xf32>
    %swap3A_423 = arith.constant 0 : index
    %swap3A_424 = arith.constant 0 : index
    %swap3A_425 = arith.constant 256 : index
    %swap3A_426 = vector.load %arg4[%swap3A_423, %swap3A_424, %swap3A_425] : memref<2x1000x1024xf32, #tpu.memory_space<vmem>>, vector<1x1000x128xf32>
    %swap3A_427 = vector.shape_cast %swap3A_426 : vector<1x1000x128xf32> to vector<1000x128xf32>
    %swap3A_428 = vector.shape_cast %concatenate3A_422 : vector<1000x128xf32> to vector<1x1000x128xf32>
    tpu.vector_store %arg4[%swap3A_423, %swap3A_424, %swap3A_425], %swap3A_428 {strides = array<i32>} : memref<2x1000x1024xf32, #tpu.memory_space<vmem>>, vector<1x1000x128xf32>,
    %slice3A_429 = vector.extract_strided_slice %add3A_196 {offsets = [0, 0], sizes = [1000, 64], strides = [1, 1]} : vector<1000x128xf32> to vector<1000x64xf32>
    %slice3A_430 = vector.extract_strided_slice %add3A_219 {offsets = [0, 0], sizes = [1000, 64], strides = [1, 1]} : vector<1000x128xf32> to vector<1000x64xf32>
    %concatenate3A_431 = tpu.concatenate %slice3A_429, %slice3A_430 in 1 : vector<1000x64xf32>, vector<1000x64xf32> -> vector<1000x128xf32>
    %swap3A_432 = arith.constant 0 : index
    %swap3A_433 = arith.constant 0 : index
    %swap3A_434 = arith.constant 384 : index
    %swap3A_435 = vector.load %arg4[%swap3A_432, %swap3A_433, %swap3A_434] : memref<2x1000x1024xf32, #tpu.memory_space<vmem>>, vector<1x1000x128xf32>
    %swap3A_436 = vector.shape_cast %swap3A_435 : vector<1x1000x128xf32> to vector<1000x128xf32>
    %swap3A_437 = vector.shape_cast %concatenate3A_431 : vector<1000x128xf32> to vector<1x1000x128xf32>
    tpu.vector_store %arg4[%swap3A_432, %swap3A_433, %swap3A_434], %swap3A_437 {strides = array<i32>} : memref<2x1000x1024xf32, #tpu.memory_space<vmem>>, vector<1x1000x128xf32>,
    %slice3A_438 = vector.extract_strided_slice %add3A_242 {offsets = [0, 0], sizes = [1000, 64], strides = [1, 1]} : vector<1000x128xf32> to vector<1000x64xf32>
    %slice3A_439 = vector.extract_strided_slice %add3A_265 {offsets = [0, 0], sizes = [1000, 64], strides = [1, 1]} : vector<1000x128xf32> to vector<1000x64xf32>
    %concatenate3A_440 = tpu.concatenate %slice3A_438, %slice3A_439 in 1 : vector<1000x64xf32>, vector<1000x64xf32> -> vector<1000x128xf32>
    %swap3A_441 = arith.constant 0 : index
    %swap3A_442 = arith.constant 0 : index
    %swap3A_443 = arith.constant 512 : index
    %swap3A_444 = vector.load %arg4[%swap3A_441, %swap3A_442, %swap3A_443] : memref<2x1000x1024xf32, #tpu.memory_space<vmem>>, vector<1x1000x128xf32>
    %swap3A_445 = vector.shape_cast %swap3A_444 : vector<1x1000x128xf32> to vector<1000x128xf32>
    %swap3A_446 = vector.shape_cast %concatenate3A_440 : vector<1000x128xf32> to vector<1x1000x128xf32>
    tpu.vector_store %arg4[%swap3A_441, %swap3A_442, %swap3A_443], %swap3A_446 {strides = array<i32>} : memref<2x1000x1024xf32, #tpu.memory_space<vmem>>, vector<1x1000x128xf32>,
    %slice3A_447 = vector.extract_strided_slice %add3A_288 {offsets = [0, 0], sizes = [1000, 64], strides = [1, 1]} : vector<1000x128xf32> to vector<1000x64xf32>
    %slice3A_448 = vector.extract_strided_slice %add3A_311 {offsets = [0, 0], sizes = [1000, 64], strides = [1, 1]} : vector<1000x128xf32> to vector<1000x64xf32>
    %concatenate3A_449 = tpu.concatenate %slice3A_447, %slice3A_448 in 1 : vector<1000x64xf32>, vector<1000x64xf32> -> vector<1000x128xf32>
    %swap3A_450 = arith.constant 0 : index
    %swap3A_451 = arith.constant 0 : index
    %swap3A_452 = arith.constant 640 : index
    %swap3A_453 = vector.load %arg4[%swap3A_450, %swap3A_451, %swap3A_452] : memref<2x1000x1024xf32, #tpu.memory_space<vmem>>, vector<1x1000x128xf32>
    %swap3A_454 = vector.shape_cast %swap3A_453 : vector<1x1000x128xf32> to vector<1000x128xf32>
    %swap3A_455 = vector.shape_cast %concatenate3A_449 : vector<1000x128xf32> to vector<1x1000x128xf32>
    tpu.vector_store %arg4[%swap3A_450, %swap3A_451, %swap3A_452], %swap3A_455 {strides = array<i32>} : memref<2x1000x1024xf32, #tpu.memory_space<vmem>>, vector<1x1000x128xf32>,
    %slice3A_456 = vector.extract_strided_slice %add3A_334 {offsets = [0, 0], sizes = [1000, 64], strides = [1, 1]} : vector<1000x128xf32> to vector<1000x64xf32>
    %slice3A_457 = vector.extract_strided_slice %add3A_357 {offsets = [0, 0], sizes = [1000, 64], strides = [1, 1]} : vector<1000x128xf32> to vector<1000x64xf32>
    %concatenate3A_458 = tpu.concatenate %slice3A_456, %slice3A_457 in 1 : vector<1000x64xf32>, vector<1000x64xf32> -> vector<1000x128xf32>
    %swap3A_459 = arith.constant 0 : index
    %swap3A_460 = arith.constant 0 : index
    %swap3A_461 = arith.constant 768 : index
    %swap3A_462 = vector.load %arg4[%swap3A_459, %swap3A_460, %swap3A_461] : memref<2x1000x1024xf32, #tpu.memory_space<vmem>>, vector<1x1000x128xf32>
    %swap3A_463 = vector.shape_cast %swap3A_462 : vector<1x1000x128xf32> to vector<1000x128xf32>
    %swap3A_464 = vector.shape_cast %concatenate3A_458 : vector<1000x128xf32> to vector<1x1000x128xf32>
    tpu.vector_store %arg4[%swap3A_459, %swap3A_460, %swap3A_461], %swap3A_464 {strides = array<i32>} : memref<2x1000x1024xf32, #tpu.memory_space<vmem>>, vector<1x1000x128xf32>,
    %slice3A_465 = vector.extract_strided_slice %add3A_380 {offsets = [0, 0], sizes = [1000, 64], strides = [1, 1]} : vector<1000x128xf32> to vector<1000x64xf32>
    %slice3A_466 = vector.extract_strided_slice %add3A_403 {offsets = [0, 0], sizes = [1000, 64], strides = [1, 1]} : vector<1000x128xf32> to vector<1000x64xf32>
    %concatenate3A_467 = tpu.concatenate %slice3A_465, %slice3A_466 in 1 : vector<1000x64xf32>, vector<1000x64xf32> -> vector<1000x128xf32>
    %swap3A_468 = arith.constant 0 : index
    %swap3A_469 = arith.constant 0 : index
    %swap3A_470 = arith.constant 896 : index
    %swap3A_471 = vector.load %arg4[%swap3A_468, %swap3A_469, %swap3A_470] : memref<2x1000x1024xf32, #tpu.memory_space<vmem>>, vector<1x1000x128xf32>
    %swap3A_472 = vector.shape_cast %swap3A_471 : vector<1x1000x128xf32> to vector<1000x128xf32>
    %swap3A_473 = vector.shape_cast %concatenate3A_467 : vector<1000x128xf32> to vector<1x1000x128xf32>
    tpu.vector_store %arg4[%swap3A_468, %swap3A_469, %swap3A_470], %swap3A_473 {strides = array<i32>} : memref<2x1000x1024xf32, #tpu.memory_space<vmem>>, vector<1x1000x128xf32>,
    %slice3A_474 = vector.extract_strided_slice %add3A_58 {offsets = [0, 64], sizes = [1000, 64], strides = [1, 1]} : vector<1000x128xf32> to vector<1000x64xf32>
    %slice3A_475 = vector.extract_strided_slice %add3A_81 {offsets = [0, 64], sizes = [1000, 64], strides = [1, 1]} : vector<1000x128xf32> to vector<1000x64xf32>
    %concatenate3A_476 = tpu.concatenate %slice3A_474, %slice3A_475 in 1 : vector<1000x64xf32>, vector<1000x64xf32> -> vector<1000x128xf32>
    %swap3A_477 = arith.constant 1 : index
    %swap3A_478 = arith.constant 0 : index
    %swap3A_479 = arith.constant 0 : index
    %swap3A_480 = vector.load %arg4[%swap3A_477, %swap3A_478, %swap3A_479] : memref<2x1000x1024xf32, #tpu.memory_space<vmem>>, vector<1x1000x128xf32>
    %swap3A_481 = vector.shape_cast %swap3A_480 : vector<1x1000x128xf32> to vector<1000x128xf32>
    %swap3A_482 = vector.shape_cast %concatenate3A_476 : vector<1000x128xf32> to vector<1x1000x128xf32>
    tpu.vector_store %arg4[%swap3A_477, %swap3A_478, %swap3A_479], %swap3A_482 {strides = array<i32>} : memref<2x1000x1024xf32, #tpu.memory_space<vmem>>, vector<1x1000x128xf32>,
    %slice3A_483 = vector.extract_strided_slice %add3A_104 {offsets = [0, 64], sizes = [1000, 64], strides = [1, 1]} : vector<1000x128xf32> to vector<1000x64xf32>
    %slice3A_484 = vector.extract_strided_slice %add3A_127 {offsets = [0, 64], sizes = [1000, 64], strides = [1, 1]} : vector<1000x128xf32> to vector<1000x64xf32>
    %concatenate3A_485 = tpu.concatenate %slice3A_483, %slice3A_484 in 1 : vector<1000x64xf32>, vector<1000x64xf32> -> vector<1000x128xf32>
    %swap3A_486 = arith.constant 1 : index
    %swap3A_487 = arith.constant 0 : index
    %swap3A_488 = arith.constant 128 : index
    %swap3A_489 = vector.load %arg4[%swap3A_486, %swap3A_487, %swap3A_488] : memref<2x1000x1024xf32, #tpu.memory_space<vmem>>, vector<1x1000x128xf32>
    %swap3A_490 = vector.shape_cast %swap3A_489 : vector<1x1000x128xf32> to vector<1000x128xf32>
    %swap3A_491 = vector.shape_cast %concatenate3A_485 : vector<1000x128xf32> to vector<1x1000x128xf32>
    tpu.vector_store %arg4[%swap3A_486, %swap3A_487, %swap3A_488], %swap3A_491 {strides = array<i32>} : memref<2x1000x1024xf32, #tpu.memory_space<vmem>>, vector<1x1000x128xf32>,
    %slice3A_492 = vector.extract_strided_slice %add3A_150 {offsets = [0, 64], sizes = [1000, 64], strides = [1, 1]} : vector<1000x128xf32> to vector<1000x64xf32>
    %slice3A_493 = vector.extract_strided_slice %add3A_173 {offsets = [0, 64], sizes = [1000, 64], strides = [1, 1]} : vector<1000x128xf32> to vector<1000x64xf32>
    %concatenate3A_494 = tpu.concatenate %slice3A_492, %slice3A_493 in 1 : vector<1000x64xf32>, vector<1000x64xf32> -> vector<1000x128xf32>
    %swap3A_495 = arith.constant 1 : index
    %swap3A_496 = arith.constant 0 : index
    %swap3A_497 = arith.constant 256 : index
    %swap3A_498 = vector.load %arg4[%swap3A_495, %swap3A_496, %swap3A_497] : memref<2x1000x1024xf32, #tpu.memory_space<vmem>>, vector<1x1000x128xf32>
    %swap3A_499 = vector.shape_cast %swap3A_498 : vector<1x1000x128xf32> to vector<1000x128xf32>
    %swap3A_500 = vector.shape_cast %concatenate3A_494 : vector<1000x128xf32> to vector<1x1000x128xf32>
    tpu.vector_store %arg4[%swap3A_495, %swap3A_496, %swap3A_497], %swap3A_500 {strides = array<i32>} : memref<2x1000x1024xf32, #tpu.memory_space<vmem>>, vector<1x1000x128xf32>,
    %slice3A_501 = vector.extract_strided_slice %add3A_196 {offsets = [0, 64], sizes = [1000, 64], strides = [1, 1]} : vector<1000x128xf32> to vector<1000x64xf32>
    %slice3A_502 = vector.extract_strided_slice %add3A_219 {offsets = [0, 64], sizes = [1000, 64], strides = [1, 1]} : vector<1000x128xf32> to vector<1000x64xf32>
    %concatenate3A_503 = tpu.concatenate %slice3A_501, %slice3A_502 in 1 : vector<1000x64xf32>, vector<1000x64xf32> -> vector<1000x128xf32>
    %swap3A_504 = arith.constant 1 : index
    %swap3A_505 = arith.constant 0 : index
    %swap3A_506 = arith.constant 384 : index
    %swap3A_507 = vector.load %arg4[%swap3A_504, %swap3A_505, %swap3A_506] : memref<2x1000x1024xf32, #tpu.memory_space<vmem>>, vector<1x1000x128xf32>
    %swap3A_508 = vector.shape_cast %swap3A_507 : vector<1x1000x128xf32> to vector<1000x128xf32>
    %swap3A_509 = vector.shape_cast %concatenate3A_503 : vector<1000x128xf32> to vector<1x1000x128xf32>
    tpu.vector_store %arg4[%swap3A_504, %swap3A_505, %swap3A_506], %swap3A_509 {strides = array<i32>} : memref<2x1000x1024xf32, #tpu.memory_space<vmem>>, vector<1x1000x128xf32>,
    %slice3A_510 = vector.extract_strided_slice %add3A_242 {offsets = [0, 64], sizes = [1000, 64], strides = [1, 1]} : vector<1000x128xf32> to vector<1000x64xf32>
    %slice3A_511 = vector.extract_strided_slice %add3A_265 {offsets = [0, 64], sizes = [1000, 64], strides = [1, 1]} : vector<1000x128xf32> to vector<1000x64xf32>
    %concatenate3A_512 = tpu.concatenate %slice3A_510, %slice3A_511 in 1 : vector<1000x64xf32>, vector<1000x64xf32> -> vector<1000x128xf32>
    %swap3A_513 = arith.constant 1 : index
    %swap3A_514 = arith.constant 0 : index
    %swap3A_515 = arith.constant 512 : index
    %swap3A_516 = vector.load %arg4[%swap3A_513, %swap3A_514, %swap3A_515] : memref<2x1000x1024xf32, #tpu.memory_space<vmem>>, vector<1x1000x128xf32>
    %swap3A_517 = vector.shape_cast %swap3A_516 : vector<1x1000x128xf32> to vector<1000x128xf32>
    %swap3A_518 = vector.shape_cast %concatenate3A_512 : vector<1000x128xf32> to vector<1x1000x128xf32>
    tpu.vector_store %arg4[%swap3A_513, %swap3A_514, %swap3A_515], %swap3A_518 {strides = array<i32>} : memref<2x1000x1024xf32, #tpu.memory_space<vmem>>, vector<1x1000x128xf32>,
    %slice3A_519 = vector.extract_strided_slice %add3A_288 {offsets = [0, 64], sizes = [1000, 64], strides = [1, 1]} : vector<1000x128xf32> to vector<1000x64xf32>
    %slice3A_520 = vector.extract_strided_slice %add3A_311 {offsets = [0, 64], sizes = [1000, 64], strides = [1, 1]} : vector<1000x128xf32> to vector<1000x64xf32>
    %concatenate3A_521 = tpu.concatenate %slice3A_519, %slice3A_520 in 1 : vector<1000x64xf32>, vector<1000x64xf32> -> vector<1000x128xf32>
    %swap3A_522 = arith.constant 1 : index
    %swap3A_523 = arith.constant 0 : index
    %swap3A_524 = arith.constant 640 : index
    %swap3A_525 = vector.load %arg4[%swap3A_522, %swap3A_523, %swap3A_524] : memref<2x1000x1024xf32, #tpu.memory_space<vmem>>, vector<1x1000x128xf32>
    %swap3A_526 = vector.shape_cast %swap3A_525 : vector<1x1000x128xf32> to vector<1000x128xf32>
    %swap3A_527 = vector.shape_cast %concatenate3A_521 : vector<1000x128xf32> to vector<1x1000x128xf32>
    tpu.vector_store %arg4[%swap3A_522, %swap3A_523, %swap3A_524], %swap3A_527 {strides = array<i32>} : memref<2x1000x1024xf32, #tpu.memory_space<vmem>>, vector<1x1000x128xf32>,
    %slice3A_528 = vector.extract_strided_slice %add3A_334 {offsets = [0, 64], sizes = [1000, 64], strides = [1, 1]} : vector<1000x128xf32> to vector<1000x64xf32>
    %slice3A_529 = vector.extract_strided_slice %add3A_357 {offsets = [0, 64], sizes = [1000, 64], strides = [1, 1]} : vector<1000x128xf32> to vector<1000x64xf32>
    %concatenate3A_530 = tpu.concatenate %slice3A_528, %slice3A_529 in 1 : vector<1000x64xf32>, vector<1000x64xf32> -> vector<1000x128xf32>
    %swap3A_531 = arith.constant 1 : index
    %swap3A_532 = arith.constant 0 : index
    %swap3A_533 = arith.constant 768 : index
    %swap3A_534 = vector.load %arg4[%swap3A_531, %swap3A_532, %swap3A_533] : memref<2x1000x1024xf32, #tpu.memory_space<vmem>>, vector<1x1000x128xf32>
    %swap3A_535 = vector.shape_cast %swap3A_534 : vector<1x1000x128xf32> to vector<1000x128xf32>
    %swap3A_536 = vector.shape_cast %concatenate3A_530 : vector<1000x128xf32> to vector<1x1000x128xf32>
    tpu.vector_store %arg4[%swap3A_531, %swap3A_532, %swap3A_533], %swap3A_536 {strides = array<i32>} : memref<2x1000x1024xf32, #tpu.memory_space<vmem>>, vector<1x1000x128xf32>,
    %slice3A_537 = vector.extract_strided_slice %add3A_380 {offsets = [0, 64], sizes = [1000, 64], strides = [1, 1]} : vector<1000x128xf32> to vector<1000x64xf32>
    %slice3A_538 = vector.extract_strided_slice %add3A_403 {offsets = [0, 64], sizes = [1000, 64], strides = [1, 1]} : vector<1000x128xf32> to vector<1000x64xf32>
    %concatenate3A_539 = tpu.concatenate %slice3A_537, %slice3A_538 in 1 : vector<1000x64xf32>, vector<1000x64xf32> -> vector<1000x128xf32>
    %swap3A_540 = arith.constant 1 : index
    %swap3A_541 = arith.constant 0 : index
    %swap3A_542 = arith.constant 896 : index
    %swap3A_543 = vector.load %arg4[%swap3A_540, %swap3A_541, %swap3A_542] : memref<2x1000x1024xf32, #tpu.memory_space<vmem>>, vector<1x1000x128xf32>
    %swap3A_544 = vector.shape_cast %swap3A_543 : vector<1x1000x128xf32> to vector<1000x128xf32>
    %swap3A_545 = vector.shape_cast %concatenate3A_539 : vector<1000x128xf32> to vector<1x1000x128xf32>
    tpu.vector_store %arg4[%swap3A_540, %swap3A_541, %swap3A_542], %swap3A_545 {strides = array<i32>} : memref<2x1000x1024xf32, #tpu.memory_space<vmem>>, vector<1x1000x128xf32>,
    return
  }
  func.func @transform_0(%arg0: i32) -> (i32, i32) {
    %c0_i32 = arith.constant 0 : i32
    %c0_i32_0 = arith.constant 0 : i32
    return %arg0, %c0_i32 : i32, i32
  }
  func.func @transform_1(%arg0: i32) -> (i32, i32, i32) {
    %c0_i32 = arith.constant 0 : i32
    %c0_i32_0 = arith.constant 0 : i32
    %c0_i32_1 = arith.constant 0 : i32
    %c0_i32_2 = arith.constant 0 : i32
    return %c0_i32, %c0_i32_0, %c0_i32_1 : i32, i32, i32
  }
  func.func @transform_2(%arg0: i32) -> (i32, i32) {
    %c0_i32 = arith.constant 0 : i32
    %c0_i32_0 = arith.constant 0 : i32
    %c0_i32_1 = arith.constant 0 : i32
    return %c0_i32, %c0_i32_0 : i32, i32
  }
  func.func @transform_3(%arg0: i32) -> (i32, i32, i32) {
    %c0_i32 = arith.constant 0 : i32
    %c0_i32_0 = arith.constant 0 : i32
    %c0_i32_1 = arith.constant 0 : i32
    return %c0_i32, %arg0, %c0_i32_0 : i32, i32, i32
  }
  func.func @transform_4(%arg0: i32) -> (i32, i32) {
    %c0_i32 = arith.constant 0 : i32
    %c0_i32_0 = arith.constant 0 : i32
    return %arg0, %c0_i32 : i32, i32
  }
}

module attributes {stable_mosaic.version = 14 : i64} {
  func.func @_ep_body(%arg0: i32, %arg1: memref<1x1000x64xf32, #tpu.memory_space<vmem>>, %arg2: memref<1x1000x64xf32, #tpu.memory_space<vmem>>, %arg3: memref<1x1000x16xf32, #tpu.memory_space<vmem>>, %arg4: memref<1x1000x16xf32, #tpu.memory_space<vmem>>, %arg5: memref<1000x128xf32, #tpu.memory_space<vmem>>, %arg6: memref<1x128xf32, #tpu.memory_space<vmem>>, %arg7: memref<1000x128xf32, #tpu.memory_space<vmem>>) attributes {dimension_semantics = [#tpu.dimension_semantics<arbitrary>], iteration_bounds = array<i64: 10>, scalar_prefetch = 0 : i64, scratch_operands = 0 : i64, tpu.core_type = #tpu.core_type<tc>, window_params = [{transform_indices = @transform_0, window_bounds = array<i64: 1, 1000, 64>}, {transform_indices = @transform_1, window_bounds = array<i64: 1, 1000, 64>}, {transform_indices = @transform_2, window_bounds = array<i64: 1, 1000, 16>}, {transform_indices = @transform_3, window_bounds = array<i64: 1, 1000, 16>}, {transform_indices = @transform_4, window_bounds = array<i64: 1000, 128>}, {pipeline_mode = #tpu.pipeline_mode<synchronous>, transform_indices = @transform_5, window_bounds = array<i64: 1, 128>}, {transform_indices = @transform_6, window_bounds = array<i64: 1000, 128>}]} {
    %get3A = arith.constant 0 : index
    %get3A_0 = arith.constant 0 : index
    %get3A_1 = arith.constant 0 : index
    %get3A_2 = vector.load %arg3[%get3A, %get3A_0, %get3A_1] : memref<1x1000x16xf32, #tpu.memory_space<vmem>>, vector<1x1000x1xf32>
    %get3A_3 = vector.shape_cast %get3A_2 : vector<1x1000x1xf32> to vector<1000x1xf32>
    %get3A_4 = arith.constant 0 : index
    %get3A_5 = arith.constant 0 : index
    %get3A_6 = arith.constant 0 : index
    %get3A_7 = vector.load %arg4[%get3A_4, %get3A_5, %get3A_6] : memref<1x1000x16xf32, #tpu.memory_space<vmem>>, vector<1x1000x1xf32>
    %get3A_8 = vector.shape_cast %get3A_7 : vector<1x1000x1xf32> to vector<1000x1xf32>
    %add3A = arith.addf %get3A_3, %get3A_8 : vector<1000x1xf32>
    %max3A = arith.constant 1.000000e+00 : f32
    %max3A_9 = vector.broadcast %max3A : f32 to vector<1000x1xf32>
    %max3A_10 = arith.maximumf %add3A, %max3A_9 : vector<1000x1xf32>
    %div3A = arith.constant 1.000000e+00 : f32
    %div3A_11 = vector.broadcast %div3A : f32 to vector<1000x1xf32>
    %div3A_12 = arith.divf %div3A_11, %max3A_10 : vector<1000x1xf32>
    %get3A_13 = arith.constant 0 : index
    %get3A_14 = arith.constant 0 : index
    %get3A_15 = arith.constant 0 : index
    %get3A_16 = vector.load %arg1[%get3A_13, %get3A_14, %get3A_15] : memref<1x1000x64xf32, #tpu.memory_space<vmem>>, vector<1x1000x64xf32>
    %get3A_17 = vector.shape_cast %get3A_16 : vector<1x1000x64xf32> to vector<1000x64xf32>
    %get3A_18 = arith.constant 0 : index
    %get3A_19 = arith.constant 0 : index
    %get3A_20 = arith.constant 0 : index
    %get3A_21 = vector.load %arg2[%get3A_18, %get3A_19, %get3A_20] : memref<1x1000x64xf32, #tpu.memory_space<vmem>>, vector<1x1000x64xf32>
    %get3A_22 = vector.shape_cast %get3A_21 : vector<1x1000x64xf32> to vector<1000x64xf32>
    %concatenate3A = tpu.concatenate %get3A_17, %get3A_22 in 1 : vector<1000x64xf32>, vector<1000x64xf32> -> vector<1000x128xf32>
    %mul3A = vector.broadcast %div3A_12 : vector<1000x1xf32> to vector<1000x128xf32>
    %mul3A_23 = arith.mulf %concatenate3A, %mul3A : vector<1000x128xf32>
    %get3A_24 = arith.constant 0 : index
    %get3A_25 = arith.constant 0 : index
    %get3A_26 = vector.load %arg5[%get3A_24, %get3A_25] : memref<1000x128xf32, #tpu.memory_space<vmem>>, vector<1000x128xf32>
    %add3A_27 = arith.addf %mul3A_23, %get3A_26 : vector<1000x128xf32>
    %get3A_28 = arith.constant 0 : index
    %get3A_29 = arith.constant 0 : index
    %get3A_30 = vector.load %arg6[%get3A_28, %get3A_29] : memref<1x128xf32, #tpu.memory_space<vmem>>, vector<1x128xf32>
    %add3A_31 = vector.broadcast %get3A_30 : vector<1x128xf32> to vector<1000x128xf32>
    %add3A_32 = arith.addf %add3A_27, %add3A_31 : vector<1000x128xf32>
    %swap3A = arith.constant 0 : index
    %swap3A_33 = arith.constant 0 : index
    %swap3A_34 = vector.load %arg7[%swap3A, %swap3A_33] : memref<1000x128xf32, #tpu.memory_space<vmem>>, vector<1000x128xf32>
    tpu.vector_store %arg7[%swap3A, %swap3A_33], %add3A_32 {strides = array<i32>} : memref<1000x128xf32, #tpu.memory_space<vmem>>, vector<1000x128xf32>,
    return
  }
  func.func @transform_0(%arg0: i32) -> (i32, i32, i32) {
    %c0_i32 = arith.constant 0 : i32
    %c0_i32_0 = arith.constant 0 : i32
    %c0_i32_1 = arith.constant 0 : i32
    return %c0_i32, %arg0, %c0_i32_0 : i32, i32, i32
  }
  func.func @transform_1(%arg0: i32) -> (i32, i32, i32) {
    %c1_i32 = arith.constant 1 : i32
    %c0_i32 = arith.constant 0 : i32
    %c0_i32_0 = arith.constant 0 : i32
    return %c1_i32, %arg0, %c0_i32 : i32, i32, i32
  }
  func.func @transform_2(%arg0: i32) -> (i32, i32, i32) {
    %c0_i32 = arith.constant 0 : i32
    %c0_i32_0 = arith.constant 0 : i32
    %c0_i32_1 = arith.constant 0 : i32
    return %c0_i32, %arg0, %c0_i32_0 : i32, i32, i32
  }
  func.func @transform_3(%arg0: i32) -> (i32, i32, i32) {
    %c1_i32 = arith.constant 1 : i32
    %c0_i32 = arith.constant 0 : i32
    %c0_i32_0 = arith.constant 0 : i32
    return %c1_i32, %arg0, %c0_i32 : i32, i32, i32
  }
  func.func @transform_4(%arg0: i32) -> (i32, i32) {
    %c0_i32 = arith.constant 0 : i32
    %c0_i32_0 = arith.constant 0 : i32
    return %arg0, %c0_i32 : i32, i32
  }
  func.func @transform_5(%arg0: i32) -> (i32, i32) {
    %c0_i32 = arith.constant 0 : i32
    %c0_i32_0 = arith.constant 0 : i32
    %c0_i32_1 = arith.constant 0 : i32
    return %c0_i32, %c0_i32_0 : i32, i32
  }
  func.func @transform_6(%arg0: i32) -> (i32, i32) {
    %c0_i32 = arith.constant 0 : i32
    %c0_i32_0 = arith.constant 0 : i32
    return %arg0, %c0_i32 : i32, i32
  }
}

</mosaic_0001>

<sc_bundles>
// kernel: kernel.6.cloned.1.call-start
scs
__scs_entry_jumppad:
0x0: {  	(pc) =	sbr.rel $0x88, $3  }
0x1: {  	(tag) =	ssettag $0x0;
	lr =	simm.s32 $0x1  }
0x2: {  	[smem:$0x3F9B] =	sst lr;
	_ =	strace $0xD0000000  }
0x3: {  	_ = 	snop  }
0x4: {  	_ = 	snop  }
0x5: {  	_ = 	snop  }
0x6: {  	_ = 	snop  }
0x7: {  	_ = 	snop  }
__scs_overlays_trampoline_lowered:
0x8: {  	[smem:$0x3FAA] =	sst s0  }
0x9: {  	[smem:$0x3FAB] =	sst s1  }
0xa: {  	[smem:$0x3FAC] =	sst s2  }
0xb: {  	[smem:$0x3FAD] =	sst s3  }
0xc: {  	[smem:$0x3FAE] =	sst s4  }
0xd: {  	[smem:$0x3FAF] =	sst s5  }
0xe: {  	[smem:$0x3FB0] =	sst s6  }
0xf: {  	[smem:$0x3FB1] =	sst s7  }
0x10: {  	[smem:$0x3FB2] =	sst s8  }
0x11: {  	[smem:$0x3FB3] =	sst s9;
	s0 =	simm.s32 @!p0 $0x0  }
0x12: {  	s1 =	sld [smem:$0x3F99];
	s0 =	simm.s32 @p0 $0x1  }
0x13: {  	[smem:$0x3FB4] =	sst s0;
	s0 =	simm.s32 @!p1 $0x0  }
0x14: {  	s2 =	sld [smem:$0x3F98];
	s0 =	simm.s32 @p1 $0x1  }
0x15: {  	[smem:$0x3FB5] =	sst s0;
	s0 =	simm.s32 @!p2 $0x0  }
0x16: {  	s3 =	sld [smem:$0x3FDB];
	s0 =	simm.s32 @p2 $0x1  }
0x17: {  	s4 =	simm.s32 $0x1BF5;
	[smem:$0x3FB7] =	sst s0  }
0x18: {  	s0 =	sld [smem:$0x3F9A];
	_ =	swait.ge [sflag:s4], $0x0  }
0x19: {  	s7 =	sld [smem:$0x3F9B]  }
0x1a: {  	s8 =	sadd.s32 $0xFFFFE003, lr  }
0x1b: {  	s9 =	sadd.s32 $0xFFFFFEF7, lr;
	s5 =	simm.s32 $0xFFFFFFFF;
	p2 =	slt.u32 s8, $0xFFFFF086  }
0x1c: {  	p1 =	slt.u32 s9, $0xF7A;
	s5 =	simm.s32 @!p2 $0x0  }
0x1d: {  	s5 =	simm.s32 @p1 $0x1;
	p0 =	seq.s32 s7, s2  }
0x1e: {  	s7 =	smul.u32 @!p0 $0xF7A, s2;
	p2 =	seq.s32 @!p0 s5, $0x0  }
0x1f: {  	s9 =	smul.u32 $0xF7A, s1;
	s8 =	simm.s32 @!p0 $0x1BF5;
	p2 =	por !p2, p0  }
0x20: {  	[sflag:s8] =	ssyncset.s32 @!p0 $0xFFFFF086;
	s6 =	sadd.s32 @!p0 s3, s7;
	s7 =	simm.s32 @!p0 $0x108  }
0x21: {  	s3 =	sadd.s32 s3, s9;
	s6 =	sadd.s32 @!p0 $0x88, s6;
	s7 =	simm.s32 @p2 $0x1082  }
0x22: {  	[simem:s7], [sflag:s8] =	dma.local @!p0 [hbm:s6], $0xF7A  }
0x23: {  	s9 =	sor.u32 $0xD0000000, s2;
	s6 =	simm.s32 $0x108;
	_ =	swait.ge @!p0 [sflag:s8], $0x0  }
0x24: {  	s3 =	sadd.s32 $0x88, s3;
	s6 =	simm.s32 @!p1 $0x1082;
	[sflag:s4] =	ssyncset.s32 $0xFFFFF086  }
0x25: {  	[simem:s6], [sflag:s4] =	dma.local [hbm:s3], $0xF7A  }
0x26: {  	[smem:$0x3F9B] =	sst s1;
	(tag) =	ssettag s2;
	_ =	strace s9  }
0x27: {  	s1 =	sld [smem:$0x3FAB]  }
0x28: {  	s2 =	sld [smem:$0x3FAC]  }
0x29: {  	s4 =	sld [smem:$0x3FAE]  }
0x2a: {  	p0 =	seq.s32 s5, $0x0;
	s5 =	sld [smem:$0x3FAF]  }
0x2b: {  	s6 =	sld [smem:$0x3FB0]  }
0x2c: {  	s7 =	sld [smem:$0x3FB1]  }
0x2d: {  	s3 =	simm.s32 $0x108;
	s8 =	sld [smem:$0x3FB2]  }
0x2e: {  	s3 =	simm.s32 @!p0 $0x1082;
	s9 =	sld [smem:$0x3FB3]  }
0x2f: {  	lr =	sadd.s32 s0, s3;
	s0 =	sld [smem:$0x3FAA]  }
0x30: {  	s3 =	sld [smem:$0x3FAD]  }
0x31: {  	[smem:$0x3FB6] =	sst s10  }
0x32: {  	s10 =	sld [smem:$0x3FB4];
	_ =	sdelay $0x3  }
0x33: {  	p0 =	seq.s32 s10, $0x1;
	s10 =	sld [smem:$0x3FB6];
	_ =	sdelay $0x3  }
0x34: {  	[smem:$0x3FB6] =	sst s10  }
0x35: {  	s10 =	sld [smem:$0x3FB5];
	_ =	sdelay $0x3  }
0x36: {  	p1 =	seq.s32 s10, $0x1;
	s10 =	sld [smem:$0x3FB6];
	_ =	sdelay $0x3  }
0x37: {  	[smem:$0x3FB6] =	sst s10  }
0x38: {  	s10 =	sld [smem:$0x3FB7]  }
0x39: {  	_ = 	snop;
	(pc) =	sbr.ind lr, $3  }
0x3a: {  	_ = 	snop  }
0x3b: {  	_ = 	snop  }
0x3c: {  	p2 =	seq.s32 s10, $0x1;
	s10 =	sld [smem:$0x3FB6]  }
0x3d: {  	_ =	shalt  }
0x3e: {  	_ =	shalt  }
0x3f: {  	_ =	shalt  }
0x40: {  	_ =	shalt  }
0x41: {  	_ =	shalt  }
0x42: {  	_ =	shalt  }
0x43: {  	_ =	shalt  }
0x44: {  	_ =	shalt  }
0x45: {  	_ =	shalt  }
0x46: {  	_ =	shalt  }
0x47: {  	_ =	shalt  }
0x48: {  	_ =	shalt  }
0x49: {  	_ =	shalt  }
0x4a: {  	_ =	shalt  }
0x4b: {  	_ =	shalt  }
0x4c: {  	_ =	shalt  }
0x4d: {  	_ =	shalt  }
0x4e: {  	_ =	shalt  }
0x4f: {  	_ =	shalt  }
0x50: {  	_ =	shalt  }
0x51: {  	_ =	shalt  }
0x52: {  	_ =	shalt  }
0x53: {  	_ =	shalt  }
0x54: {  	_ =	shalt  }
0x55: {  	_ =	shalt  }
0x56: {  	_ =	shalt  }
0x57: {  	_ =	shalt  }
0x58: {  	_ =	shalt  }
0x59: {  	_ =	shalt  }
0x5a: {  	_ =	shalt  }
0x5b: {  	_ =	shalt  }
0x5c: {  	_ =	shalt  }
0x5d: {  	_ =	shalt  }
0x5e: {  	_ =	shalt  }
0x5f: {  	_ =	shalt  }
0x60: {  	_ =	shalt  }
0x61: {  	_ =	shalt  }
0x62: {  	_ =	shalt  }
0x63: {  	_ =	shalt  }
0x64: {  	_ =	shalt  }
0x65: {  	_ =	shalt  }
0x66: {  	_ =	shalt  }
0x67: {  	_ =	shalt  }
0x68: {  	_ =	shalt  }
0x69: {  	_ =	shalt  }
0x6a: {  	_ =	shalt  }
0x6b: {  	_ =	shalt  }
0x6c: {  	_ =	shalt  }
0x6d: {  	_ =	shalt  }
0x6e: {  	_ =	shalt  }
0x6f: {  	_ =	shalt  }
0x70: {  	_ =	shalt  }
0x71: {  	_ =	shalt  }
0x72: {  	_ =	shalt  }
0x73: {  	_ =	shalt  }
0x74: {  	_ =	shalt  }
0x75: {  	_ =	shalt  }
0x76: {  	_ =	shalt  }
0x77: {  	_ =	shalt  }
0x78: {  	_ =	shalt  }
0x79: {  	_ =	shalt  }
0x7a: {  	_ =	shalt  }
0x7b: {  	_ =	shalt  }
0x7c: {  	_ =	shalt  }
0x7d: {  	_ =	shalt  }
0x7e: {  	_ =	shalt  }
0x7f: {  	_ =	shalt  }
0x80: {  	_ =	shalt  }
0x81: {  	_ =	shalt  }
0x82: {  	_ =	shalt  }
0x83: {  	_ =	shalt  }
0x84: {  	_ =	shalt  }
0x85: {  	_ =	shalt  }
0x86: {  	_ =	shalt  }
0x87: {  	_ =	shalt  }
.Lfunc_end0:
.L_simem_size_0:
called_computation.1_lowered:
.L_overlay_start_0:
0x88: {  	s2 =	sld [smem:$0x3FD9]  }
0x89: {  	s3 =	sld [smem:$0x3FFE];
	_ =	sdelay $0x1  }
0x8a: {  	s1 =	srdreg.scid  }
0x8b: {  	s0 =	sand.u32 $0x1, s1  }
0x8c: {  	s16 =	sshll.u32 s0, $0xA;
	s2 =	sadd.s32 s3, s2  }
0x8d: {  	s2 =	sadd.s32 s2, s16  }
0x8e: {  	[smem:$0x3FC2] =	sst s2  }
0x8f: {  	_ = 	snop  }
0x90: {  	(tm) =	ssettm $0x1  }
0x91: {  	s17 =	sld [smem:$0x3FFB];
	_ =	sdelay $0x3  }
0x92: {  	_ =	strace s17  }
0x93: {  	s2 =	sld [smem:$0x3FFC];
	_ =	sdelay $0x3  }
0x94: {  	_ =	strace s2  }
0x95: {  	s2 =	sld [smem:$0x3FFD];
	_ =	sdelay $0x3  }
0x96: {  	_ =	strace s2  }
0x97: {  	_ =	strace $0x8FFFFFFF  }
0x98: {  	s18 =	sld [smem:$0x3FDB];
	_ =	sdelay $0x1  }
0x99: {  	s19 =	simm.s32 $_scs_section_size  }
0x9a: {  	s4 =	simm.s32 $_size__tile_overlayer_lowered;
	s5 =	simm.s32 $_tile_overlayer_lowered  }
0x9b: {  	s22 =	simm.s32 $0x1BFF;
	s21 =	sshll.u32 s5, $0x1;
	s2 =	sadd.s32 s19, s18  }
0x9c: {  	s6 =	simm.s32 $0x0;
	s20 =	sshll.u32 s4, $0x1;
	s4 =	sadd.s32 s21, s2  }
0x9d: {  	[timem:s6], [sflag:s22] =	dma.local [hbm:s4], s20  }
0x9e: {  	_ =	swait.ge [sflag:s22], s20  }
0x9f: {  	s3 =	ssub.s32 $0x0, s20;
	[sflag:s22] =	ssyncset.done $0x0  }
0xa0: {  	[sflag:s22] =	ssyncadd.s32 s3;
	_ =	sdelay $0x1  }
0xa1: {  	s23 =	simm.s32 $0x1B8B  }
0xa2: {  	_ =	swait.ge [sflag:s23], $0x1  }
0xa3: {  	[sflag:s23] =	ssyncset.done $0x0  }
0xa4: {  	s25 =	simm.s32 $0x1B8E;
	s24 =	sld [smem:$0x3FFE];
	[sflag:s23] =	ssyncadd.s32 $0xFFFFFFFF  }
0xa5: {  	s26 =	simm.s32 $execute0_lowered;
	[smem:$0x3FD2] =	sst s25  }
0xa6: {  	s4 =	sshll.u32 s26, $0x1;
	_ =	strace $0x80000049;
	[dreg:$0x1] =	wrdreg $0xFFFFFFFF  }
0xa7: {  	s28 =	simm.s32 $_size_execute0_lowered;
	s2 =	sadd.s32 s2, s4;
	[dreg:$0x0] =	wrdreg $0x0  }
0xa8: {  	s4 =	sshll.u32 s28, $0x1;
	[dreg:$0x2] =	wrdreg s2  }
0xa9: {  	[dreg:$0x3] =	wrdreg s4  }
0xaa: {  	[dreg:$0x4] =	wrdreg $0xC0  }
0xab: {  	_ =	task [dreg:s6], $0x5FFFF  }
0xac: {  	[dreg:$0x1] =	wrdreg $0xFFFFFFFF  }
0xad: {  	[dreg:$0x0] =	wrdreg $0x60  }
0xae: {  	[dreg:$0x2] =	wrdreg s24  }
0xaf: {  	[dreg:$0x3] =	wrdreg $0x138000  }
0xb0: {  	[dreg:$0x4] =	wrdreg $0x1D8000  }
0xb1: {  	[dreg:$0x5] =	wrdreg $0x9  }
0xb2: {  	_ =	task.clear_ibuf [dreg:s6], $0x6FFFF;
	_ =	strace $0x90000049  }
0xb3: {  	s29 =	simm.s32 $0x9;
	_ =	strace $0x8000004B  }
0xb4: {  	_ =	swait.ge [sflag:s29], $0x1  }
0xb5: {  	[sflag:s29] =	ssyncadd.s32 $0xFFFFFFFF  }
0xb6: {  	_ =	strace $0x9000004B  }
0xb7: {  	_ =	sfence  }
0xb8: {  	s30 =	sld [smem:$0x0];
	_ =	sdelay $0x2  }
0xb9: {  	s31 =	sshll.u32 s1, $0xD;
	s1 =	sshrl.u32 s1, $0x2  }
0xba: {  	s3 =	sand.u32 $0x4000, s31;
	s1 =	sadd.s32 s1, s30  }
0xbb: {  	s0 =	sor.u32 s3, s0;
	s1 =	sshll.u32 s1, $0x11  }
0xbc: {  	s0 =	sor.u32 s1, s0  }
0xbd: {  	s0 =	sadd.s32 $0x8F2B, s0  }
0xbe: {  	[sflag:s0] =	ssyncadd.remote.s32 $0x1  }
0xbf: {  	_ =	sfence.sel $0xFFFF  }
0xc0: {  	[dreg:$0x0] =	wrdreg $0xFFFFFFFF;
	(pc) =	sbr.abs _section_cstart, $3  }
0xc1: {  	[dreg:$0x1] =	wrdreg $0xFFFFFFFF  }
0xc2: {  	_ =	task.clear_ibuf [dreg:s6], $0x2FFFF;
	_ =	strace $0x9FFFFFFF  }
0xc3: {  	(tm) =	ssettm $0x7FFFFFFF  }
tec
execute0_lowered:
.L_overlay_start_1:
0x0: {  	(tag) =	ssettag $0x1  }
0x1: {  	s0 =	rddreg [dreg:$0x0]  }
0x2: {  	s1 =	rddreg [dreg:$0x1]  }
0x3: {  	s3 =	rddreg [dreg:$0x2];
	s4 =	simm.s32 $0x0;
	s7 =	stileid.u32  }
0x4: {  	s6 =	srdreg.scid;
	s22 =	simm.s32 $0xF000;
	s28 =	simm.s32 $0x2  }
0x5: {  	s31 =	simm.s32 $0x0;
	[smem:$0x7FF] =	sst s4;
	s2 =	smul.u32 $0xA00, s7  }
0x6: {  	s5 =	sadd.s32 $0x273C00, s0;
	s17 =	sand.u32 $0x1, s6;
	s14 =	smul.u32 $0xA000, s7  }
0x7: {  	s23 =	sadd.s32 $0x2C00, s0;
	s24 =	sadd.s32 $0x4000, s0;
	s16 =	smul.u32 $0x2800, s7  }
0x8: {  	s8 =	sadd.s32 $0x4600, s0;
	s29 =	sshll.u32 s7, $0x6;
	s9 =	smul.u32 $0x14000, s17  }
0x9: {  	_ =	strace $0x8000004A;
	[dreg:$0x4] =	wrdreg s23;
	s10 =	smul.u32 $0x5000, s17  }
0xa: {  	[dreg:$0x5] =	wrdreg s24;
	s25 =	ssub.s32 $0x2, s17;
	s18 =	smul.u32 $0x27100, s17  }
0xb: {  	p0 =	sne.s32 s17, $0x0;
	p1 =	seq.s32 s17, $0x0;
	s24 =	simm.s32 $0x1  }
0xc: {  	s2 =	sadd.s32 s2, s0;
	s26 =	sshrl.u32 s25, $0x1;
	s19 =	sadd.s32 s14, s1  }
0xd: {  	s20 =	sadd.s32 s16, s3;
	s21 =	sshrl.u32 s14, $0x3;
	s23 =	sshrl.u32 s16, $0x3  }
0xe: {  	s13 =	sadd.s32 s9, s0;
	s0 =	sadd.s32 s10, s0;
	s9 =	sor.u32 $0x1C03, s29  }
0xf: {  	s15 =	ssub.s32 s25, s26;
	s10 =	sadd.s32 $0x4E4C00, s2;
	s11 =	sadd.s32 $0x4F8C00, s2  }
0x10: {  	s12 =	sadd.s32 $0x4EEC00, s2;
	s14 =	sshrl.u32 s19, $0x3;
	s16 =	sshrl.u32 s20, $0x3  }
0x11: {  	s20 =	simm.s32 $0x80;
	s25 =	simm.s32 $0x11000;
	s26 =	simm.s32 $0x4  }
0x12: {  	s30 =	sadd.s32 $0x4800, s13;
	s0 =	sadd.s32 $0x2C800, s0;
	s13 =	smax.u32 s15, $0x1  }
0x13: {  	v0 =	vmov s18;
	s15 =	simm.s32 $0x3;
	s21 =	sadd.s32 s21, s30;
	s23 =	sadd.s32 s23, s0  }
.LBB2_1:
0x14: {  	s0 =	rddreg [dreg:$0x4]  }
0x15: {  	[spmem:s14], [sflag:s9] =	dma.local [hbm:s0], $0x1400  }
0x16: {  	_ =	swait.ge [sflag:s15], $0x1400  }
0x17: {  	[sflag:s15] =	ssyncset.done $0x0  }
0x18: {  	s18 =	rddreg [dreg:$0x5];
	[sflag:s15] =	ssyncadd.s32 $0xFFFFEC00  }
0x19: {  	[spmem:s16], [sflag:s9] =	dma.local [hbm:s18], $0x500  }
0x1a: {  	_ =	swait.ge [sflag:s15], $0x500  }
0x1b: {  	[sflag:s15] =	ssyncset.done $0x0  }
0x1c: {  	s19 =	simm.s32 $0x13000;
	[sflag:s15] =	ssyncadd.s32 $0xFFFFFB00  }
0x1d: {  	[tilespmem:s19], [sflag:$0x3] =	stream.linear.gather [hbm4b:s8+s4], $0x800, $0x38;
	v63 =	vld [tilespmem:$0x0]  }
0x1e: {  	_ =	swait.ge [sflag:s15], $0x800  }
0x1f: {  	[sflag:s15] =	ssyncset.done $0x0  }
0x20: {  	[sflag:s15] =	ssyncadd.s32 $0xFFFFF800  }
0x21: {  	[tilespmem:s4], [sflag:$0x3] =	stream.linear.gather [hbm4b:s10+s4], $0x5000, $0x38;
	v63 =	vld [tilespmem:$0x0]  }
0x22: {  	_ =	swait.ge [sflag:s15], $0x5000  }
0x23: {  	[sflag:s15] =	ssyncset.done $0x0  }
0x24: {  	s29 =	simm.s32 $0x5000;
	[sflag:s15] =	ssyncadd.s32 $0xFFFFB000  }
0x25: {  	[tilespmem:s29], [sflag:$0x3] =	stream.linear.gather [hbm4b:s11+s4], $0x5000, $0x38;
	v63 =	vld [tilespmem:$0x0]  }
0x26: {  	_ =	swait.ge [sflag:s15], $0x5000  }
0x27: {  	[sflag:s15] =	ssyncset.done $0x0  }
0x28: {  	s30 =	simm.s32 $0xA000;
	[sflag:s15] =	ssyncadd.s32 $0xFFFFB000  }
0x29: {  	[tilespmem:s30], [sflag:$0x3] =	stream.linear.gather [hbm4b:s12+s4], $0x5000, $0x38;
	v63 =	vld [tilespmem:$0x0]  }
0x2a: {  	_ =	swait.ge [sflag:s15], $0x5000  }
0x2b: {  	[sflag:s15] =	ssyncset.done $0x0  }
0x2c: {  	[sflag:s15] =	ssyncadd.s32 $0xFFFFB000  }
0x2d: {  	s0 =	simm.s32 $0x0;
	[bflag:$0x0] =	sbarrier.arrive $0xFFFF  }
0x2e: {  	v7 =	vld [tilespmem:s0+$0x5000]  }
0x2f: {  	v14 =	vld [tilespmem:s0+$0x5010]  }
0x30: {  	v6 =	vld [tilespmem:s0+$0x5020]  }
0x31: {  	v5 =	vld [tilespmem:s0+$0x5030]  }
0x32: {  	v4 =	vld [tilespmem:s0+$0x5040]  }
0x33: {  	v3 =	vld [tilespmem:s0+$0x5050]  }
0x34: {  	v2 =	vld [tilespmem:s0+$0x5060]  }
0x35: {  	v1 =	vld [tilespmem:s0+$0x5070]  }
0x36: {  	v8 =	vld [tilespmem:s0+$0x0]  }
0x37: {  	v13 =	vld [tilespmem:s0+$0x10]  }
0x38: {  	v11 =	vld [tilespmem:s0+$0x20]  }
0x39: {  	v10 =	vld [tilespmem:s0+$0x30]  }
0x3a: {  	v9 =	vld [tilespmem:s0+$0x40]  }
0x3b: {  	v12 =	vshll.u32 v8, $0x4;
	v7 =	vadd.s32 v0, v7;
	v8 =	vld [tilespmem:s0+$0x50]  }
0x3c: {  	s2 =	simm.s32 $0x200;
	v13 =	vshll.u32 v13, $0x4;
	v14 =	vadd.s32 v0, v14;
	v12 =	vadd.s32 v12, v7;
	v7 =	vld [tilespmem:s0+$0x60]  }
.LBB2_2:
0x3d: {  	s17 =	sshra.s32 s2, $0x2;
	p2 =	sne.s32 s2, $0x13E00;
	[tilespmem:s0+$0x0] =	vst v12;
	v12 =	vadd.s32 v13, v14;
	v11 =	vshll.u32 v11, $0x4;
	v6 =	vadd.s32 v0, v6;
	v13 =	vld [tilespmem:s0+$0x70]  }
0x3e: {  	v5 =	vadd.s32 v0, v5;
	v14 =	vld [tilespmem:s17+$0x5000];
	[tilespmem:s0+$0x10] =	vst v12;
	v6 =	vadd.s32 v11, v6;
	v10 =	vshll.u32 v10, $0x4  }
0x3f: {  	v4 =	vadd.s32 v0, v4;
	v15 =	vld [tilespmem:s17+$0x5010];
	[tilespmem:s0+$0x20] =	vst v6;
	v5 =	vadd.s32 v10, v5;
	v9 =	vshll.u32 v9, $0x4  }
0x40: {  	v3 =	vadd.s32 v0, v3;
	v6 =	vld [tilespmem:s17+$0x5020];
	[tilespmem:s0+$0x30] =	vst v5;
	v4 =	vadd.s32 v9, v4;
	v8 =	vshll.u32 v8, $0x4  }
0x41: {  	v2 =	vadd.s32 v0, v2;
	v5 =	vld [tilespmem:s17+$0x5030];
	[tilespmem:s0+$0x40] =	vst v4;
	v3 =	vadd.s32 v8, v3;
	v7 =	vshll.u32 v7, $0x4  }
0x42: {  	v1 =	vadd.s32 v0, v1;
	v4 =	vld [tilespmem:s17+$0x5040];
	[tilespmem:s0+$0x50] =	vst v3;
	v2 =	vadd.s32 v7, v2;
	v7 =	vshll.u32 v13, $0x4  }
0x43: {  	v3 =	vld [tilespmem:s17+$0x5050];
	[tilespmem:s0+$0x60] =	vst v2;
	v1 =	vadd.s32 v7, v1  }
0x44: {  	v2 =	vld [tilespmem:s17+$0x5060];
	[tilespmem:s0+$0x70] =	vst v1;
	s0 =	smov.u32 s17  }
0x45: {  	v1 =	vld [tilespmem:s0+$0x5070]  }
0x46: {  	v7 =	vld [tilespmem:s0+$0x0]  }
0x47: {  	v13 =	vld [tilespmem:s0+$0x10]  }
.Ltmp0:
0x48: {  	v11 =	vld [tilespmem:s0+$0x20];
	(pc) =	sbr.rel @p2 .LBB2_2-.Ltmp0, $4  }
0x49: {  	v10 =	vld [tilespmem:s0+$0x30]  }
0x4a: {  	v9 =	vld [tilespmem:s0+$0x40]  }
0x4b: {  	v12 =	vadd.s32 v0, v14;
	v7 =	vshll.u32 v7, $0x4;
	v8 =	vld [tilespmem:s0+$0x50]  }
0x4c: {  	s2 =	sadd.s32 $0x200, s2;
	v14 =	vadd.s32 v0, v15;
	v12 =	vadd.s32 v7, v12;
	v13 =	vshll.u32 v13, $0x4;
	v7 =	vld [tilespmem:s0+$0x60]  }
0x4d: {  	[tilespmem:s0+$0x0] =	vst v12;
	v58 =	vadd.s32 v13, v14;
	v11 =	vshll.u32 v11, $0x4;
	v6 =	vadd.s32 v0, v6;
	v59 =	vld [tilespmem:s0+$0x70]  }
0x4e: {  	v5 =	vadd.s32 v0, v5;
	[tilespmem:s0+$0x10] =	vst v58;
	v6 =	vadd.s32 v11, v6;
	v10 =	vshll.u32 v10, $0x4  }
0x4f: {  	v4 =	vadd.s32 v0, v4;
	[tilespmem:s0+$0x20] =	vst v6;
	v5 =	vadd.s32 v10, v5;
	v60 =	vshll.u32 v9, $0x4  }
0x50: {  	v3 =	vadd.s32 v0, v3;
	[tilespmem:s0+$0x30] =	vst v5;
	v4 =	vadd.s32 v60, v4;
	v61 =	vshll.u32 v8, $0x4  }
0x51: {  	v2 =	vadd.s32 v0, v2;
	[tilespmem:s0+$0x40] =	vst v4;
	v3 =	vadd.s32 v61, v3;
	v62 =	vshll.u32 v7, $0x4  }
0x52: {  	v1 =	vadd.s32 v0, v1;
	[tilespmem:s0+$0x50] =	vst v3;
	v2 =	vadd.s32 v62, v2;
	v3 =	vshll.u32 v59, $0x4  }
0x53: {  	[tilespmem:s0+$0x60] =	vst v2;
	v1 =	vadd.s32 v3, v1  }
0x54: {  	s17 =	simm.s32 $0x0;
	[tilespmem:s0+$0x70] =	vst v1  }
0x55: {  	[tilespmem:s22], [sflag:$0x1] =	stream.indirect.gather [hbm4b:s5+s20], $0x40, s17, s20, $0xb8;
	v63 =	vld [tilespmem:$0x0]  }
0x56: {  	_ =	swait.ge [sflag:s24], $0x2000  }
0x57: {  	[sflag:s24] =	ssyncset.done $0x0  }
0x58: {  	s18 =	simm.s32 $0x80;
	[sflag:s24] =	ssyncadd.s32 $0xFFFFE000  }
0x59: {  	[tilespmem:s25], [sflag:$0x2] =	stream.indirect.gather [hbm4b:s5+s20], $0x40, s18, s20, $0xb8;
	v63 =	vld [tilespmem:$0x0]  }
0x5a: {  	s18 =	simm.s32 $0xA000  }
0x5b: {  	[spmem:s1] =	stream.indirect.scatter.add.f32 [tilespmem:s22], [sflag:$0x4], $0x40, s18, s20, $0xb8;
	v63 =	vld [tilespmem:$0x0]  }
0x5c: {  	_ =	swait.ge [sflag:s26], $0x2000  }
0x5d: {  	s2 =	simm.s32 @!p0 $0x80;
	[sflag:s26] =	ssyncset.done $0x0  }
0x5e: {  	s0 =	simm.s32 @!p0 $0x4;
	s17 =	simm.s32 @!p0 $0x13000;
	[sflag:s26] =	ssyncadd.s32 $0xFFFFE000  }
0x5f: {  	[spmem:s3] =	stream.indirect.scatter.add.f32 @!p0 [tilespmem:s17], [sflag:$0x4], $0x10, s18, s2, $0xb8;
	v63 =	vld [tilespmem:$0x0]  }
0x60: {  	_ =	swait.ge @!p0 [sflag:s0], $0x800  }
0x61: {  	[sflag:s0] =	ssyncset.done @!p0 $0x0  }
0x62: {  	[sflag:s0] =	ssyncadd.s32 @!p0 $0xFFFFF800  }
0x63: {  	_ =	swait.ge [sflag:s28], $0x2000  }
0x64: {  	[sflag:s28] =	ssyncset.done $0x0  }
0x65: {  	s19 =	simm.s32 $0x100;
	[sflag:s28] =	ssyncadd.s32 $0xFFFFE000  }
0x66: {  	[tilespmem:s22], [sflag:$0x1] =	stream.indirect.gather [hbm4b:s5+s20], $0x40, s19, s20, $0xb8;
	v63 =	vld [tilespmem:$0x0]  }
0x67: {  	s30 =	simm.s32 $0xA080  }
0x68: {  	[spmem:s1] =	stream.indirect.scatter.add.f32 [tilespmem:s25], [sflag:$0x4], $0x40, s30, s20, $0xb8;
	v63 =	vld [tilespmem:$0x0]  }
0x69: {  	_ =	swait.ge [sflag:s26], $0x2000  }
0x6a: {  	s29 =	simm.s32 @!p1 $0x13000;
	[sflag:s26] =	ssyncset.done $0x0  }
0x6b: {  	s18 =	simm.s32 @!p1 $0x3;
	s19 =	simm.s32 @!p1 $0x80;
	[sflag:s26] =	ssyncadd.s32 $0xFFFFE000  }
0x6c: {  	[spmem:s3] =	stream.indirect.scatter.add.f32 @!p1 [tilespmem:s29], [sflag:$0x3], $0x10, s30, s19, $0xb8;
	v63 =	vld [tilespmem:$0x0]  }
0x6d: {  	_ =	swait.ge @!p1 [sflag:s18], $0x800  }
0x6e: {  	s30 =	simm.s32 $0x400;
	[sflag:s18] =	ssyncset.done @!p1 $0x0  }
.LBB2_4:
0x6f: {  	[sflag:s18] =	ssyncadd.s32 @!p1 $0xFFFFF800;
	s6 =	smov.u32 s30;
	s30 =	sadd.s32 $0x400, s30  }
0x70: {  	_ =	swait.ge [sflag:s24], $0x2000;
	p2 =	sne.s32 s30, $0x13C00  }
0x71: {  	s6 =	sshra.s32 s6, $0x2;
	[sflag:s24] =	ssyncset.done $0x0  }
0x72: {  	s7 =	sadd.s32 $0x80, s6;
	[sflag:s24] =	ssyncadd.s32 $0xFFFFE000  }
0x73: {  	[tilespmem:s25], [sflag:$0x2] =	stream.indirect.gather [hbm4b:s5+s20], $0x40, s7, s20, $0xb8;
	v63 =	vld [tilespmem:$0x0]  }
0x74: {  	s7 =	sadd.s32 $0xA000, s6  }
0x75: {  	[spmem:s1] =	stream.indirect.scatter.add.f32 [tilespmem:s22], [sflag:$0x4], $0x40, s7, s20, $0xb8;
	v63 =	vld [tilespmem:$0x0]  }
0x76: {  	_ =	swait.ge [sflag:s26], $0x2000  }
0x77: {  	[sflag:s26] =	ssyncset.done $0x0  }
0x78: {  	[sflag:s26] =	ssyncadd.s32 $0xFFFFE000  }
0x79: {  	[spmem:s3] =	stream.indirect.scatter.add.f32 @!p0 [tilespmem:s17], [sflag:$0x4], $0x10, s7, s2, $0xb8;
	v63 =	vld [tilespmem:$0x0]  }
0x7a: {  	_ =	swait.ge @!p0 [sflag:s0], $0x800  }
0x7b: {  	[sflag:s0] =	ssyncset.done @!p0 $0x0  }
0x7c: {  	[sflag:s0] =	ssyncadd.s32 @!p0 $0xFFFFF800  }
0x7d: {  	_ =	swait.ge [sflag:s28], $0x2000  }
0x7e: {  	[sflag:s28] =	ssyncset.done $0x0  }
0x7f: {  	s7 =	sadd.s32 $0x100, s6;
	[sflag:s28] =	ssyncadd.s32 $0xFFFFE000  }
0x80: {  	[tilespmem:s22], [sflag:$0x1] =	stream.indirect.gather [hbm4b:s5+s20], $0x40, s7, s20, $0xb8;
	v63 =	vld [tilespmem:$0x0]  }
0x81: {  	s6 =	sadd.s32 $0xA080, s6  }
0x82: {  	[spmem:s1] =	stream.indirect.scatter.add.f32 [tilespmem:s25], [sflag:$0x4], $0x40, s6, s20, $0xb8;
	v63 =	vld [tilespmem:$0x0]  }
0x83: {  	_ =	swait.ge [sflag:s26], $0x2000  }
.Ltmp1:
0x84: {  	[sflag:s26] =	ssyncset.done $0x0;
	(pc) =	sbr.rel @p2 .LBB2_4-.Ltmp1, $4  }
0x85: {  	[sflag:s26] =	ssyncadd.s32 $0xFFFFE000  }
0x86: {  	[spmem:s3] =	stream.indirect.scatter.add.f32 @!p1 [tilespmem:s29], [sflag:$0x3], $0x10, s6, s19, $0xb8;
	v63 =	vld [tilespmem:$0x0]  }
0x87: {  	_ =	swait.ge @!p1 [sflag:s18], $0x800  }
0x88: {  	[sflag:s18] =	ssyncset.done @!p1 $0x0  }
0x89: {  	[sflag:s18] =	ssyncadd.s32 @!p1 $0xFFFFF800  }
0x8a: {  	_ =	swait.ge [sflag:s24], $0x2000  }
0x8b: {  	[sflag:s24] =	ssyncset.done $0x0  }
0x8c: {  	s6 =	simm.s32 $0x4F80;
	[sflag:s24] =	ssyncadd.s32 $0xFFFFE000  }
0x8d: {  	[tilespmem:s25], [sflag:$0x2] =	stream.indirect.gather [hbm4b:s5+s20], $0x40, s6, s20, $0xb8;
	v63 =	vld [tilespmem:$0x0]  }
0x8e: {  	s30 =	simm.s32 $0xEF00  }
0x8f: {  	[spmem:s1] =	stream.indirect.scatter.add.f32 [tilespmem:s22], [sflag:$0x4], $0x40, s30, s20, $0xb8;
	v63 =	vld [tilespmem:$0x0]  }
0x90: {  	_ =	swait.ge [sflag:s26], $0x2000  }
0x91: {  	[sflag:s26] =	ssyncset.done $0x0  }
0x92: {  	s6 =	simm.s32 @p0 $0x2;
	[sflag:s26] =	ssyncadd.s32 $0xFFFFE000  }
0x93: {  	_ =	swait.ge @p0 [sflag:s6], $0x2000  }
0x94: {  	s7 =	simm.s32 @p0 $0xEF80;
	[sflag:s6] =	ssyncset.done @p0 $0x0  }
0x95: {  	s18 =	simm.s32 @p0 $0x11000;
	[sflag:s6] =	ssyncadd.s32 @p0 $0xFFFFE000;
	s6 =	simm.s32 @p0 $0x80  }
0x96: {  	[spmem:s1] =	stream.indirect.scatter.add.f32 @p0 [tilespmem:s18], [sflag:$0x4], $0x40, s7, s6, $0xb8;
	v63 =	vld [tilespmem:$0x0]  }
0x97: {  	s18 =	simm.s32 @p0 $0x4  }
0x98: {  	_ =	swait.ge @p0 [sflag:s18], $0x2000  }
0x99: {  	[sflag:s18] =	ssyncset.done @p0 $0x0  }
0x9a: {  	[sflag:s18] =	ssyncadd.s32 @p0 $0xFFFFE000;
	s18 =	simm.s32 @p0 $0x13000  }
0x9b: {  	[spmem:s3] =	stream.indirect.scatter.add.f32 @p0 [tilespmem:s18], [sflag:$0x3], $0x10, s7, s6, $0xb8;
	v63 =	vld [tilespmem:$0x0]  }
0x9c: {  	s6 =	simm.s32 @p0 $0x3  }
0x9d: {  	_ =	swait.ge @p0 [sflag:s6], $0x800  }
0x9e: {  	[sflag:s6] =	ssyncset.done @p0 $0x0  }
0x9f: {  	[sflag:s6] =	ssyncadd.s32 @p0 $0xFFFFF800;
	s6 =	simm.s32 @!p0 $0xEF00  }
0xa0: {  	[spmem:s3] =	stream.indirect.scatter.add.f32 @!p0 [tilespmem:s17], [sflag:$0x4], $0x10, s6, s2, $0xb8;
	v63 =	vld [tilespmem:$0x0]  }
0xa1: {  	_ =	swait.ge @!p0 [sflag:s0], $0x800  }
0xa2: {  	[sflag:s0] =	ssyncset.done @!p0 $0x0  }
0xa3: {  	s6 =	simm.s32 @!p0 $0x2;
	[sflag:s0] =	ssyncadd.s32 @!p0 $0xFFFFF800  }
0xa4: {  	_ =	swait.ge @!p0 [sflag:s6], $0x2000  }
0xa5: {  	[sflag:s6] =	ssyncset.done @!p0 $0x0  }
0xa6: {  	s7 =	simm.s32 @!p0 $0x11000;
	[sflag:s6] =	ssyncadd.s32 @!p0 $0xFFFFE000;
	s6 =	simm.s32 @!p0 $0xEF80  }
0xa7: {  	[spmem:s1] =	stream.indirect.scatter.add.f32 @!p0 [tilespmem:s7], [sflag:$0x4], $0x40, s6, s2, $0xb8;
	v63 =	vld [tilespmem:$0x0]  }
0xa8: {  	_ =	swait.ge @!p0 [sflag:s0], $0x2000  }
0xa9: {  	[sflag:s0] =	ssyncset.done @!p0 $0x0  }
0xaa: {  	[sflag:s0] =	ssyncadd.s32 @!p0 $0xFFFFE000  }
0xab: {  	[bflag:$0x0] =	sbarrier.arrive $0xFFFF  }
0xac: {  	[hbm:s21], [sflag:s9] =	dma.local [spmem:s14], $0x1400  }
0xad: {  	s31 =	sadd.s32 $0x1, s31;
	_ =	swait.ge [sflag:s15], $0x1400  }
0xae: {  	p2 =	sne.s32 s31, s13;
	[sflag:s15] =	ssyncset.done $0x0  }
.Ltmp2:
0xaf: {  	[sflag:s15] =	ssyncadd.s32 $0xFFFFEC00;
	(pc) =	sbr.rel @p2 .LBB2_1-.Ltmp2, $4  }
0xb0: {  	[hbm:s23], [sflag:s9] =	dma.local [spmem:s16], $0x500  }
0xb1: {  	_ =	swait.ge [sflag:s15], $0x500  }
0xb2: {  	[sflag:s15] =	ssyncset.done $0x0  }
0xb3: {  	[sflag:s15] =	ssyncadd.s32 $0xFFFFFB00  }
0xb4: {  	_ =	sfence.sel $0x180000  }
0xb5: {  	[bflag:$0x0] =	sbarrier.arrive $0xFFFF  }
0xb6: {  	_ =	strace $0x9000004A  }
0xb7: {  	s0 =	stileid.u32;
	[bflag:$0x2] =	sbarrier.arrive $0xFFFF  }
0xb8: {  	p0 =	sne.s32 s0, $0x0;
	s0 =	rddreg [dreg:$0x3]  }
0xb9: {  	s0 =	sadd.s32 @!p0 $0x100000, s0  }
0xba: {  	[sflag:s0] =	ssyncadd.tile.s32 @!p0 $0x1;
	_ =	shalt  }
.Lfunc_end2:
_tile_overlayer_lowered:
.L_overlay_start_2:
0xbb: {  	(tag) =	ssettag $0x2  }
0xbc: {  	s0 =	rddreg [dreg:$0x0];
	s2 =	stileid.u32  }
0xbd: {  	s1 =	rddreg [dreg:$0x1];
	p0 =	sne.s32 s2, $0x0  }
0xbe: {  	s3 =	rddreg [dreg:$0x2];
	[bflag:$0x3] =	sbarrier.arrive $0xFFFF;
	s2 =	simm.s32 @!p0 $0x1C03  }
0xbf: {  	[timem:s3], [sflag:s2] =	dma.local @!p0 [hbm:s0], s1  }
0xc0: {  	s0 =	simm.s32 @!p0 $0x3  }
0xc1: {  	_ =	swait.ge @!p0 [sflag:s0], s1  }
0xc2: {  	s1 =	ssub.s32 @!p0 $0x0, s1;
	[sflag:s0] =	ssyncset.done @!p0 $0x0  }
0xc3: {  	[sflag:s0] =	ssyncadd.s32 @!p0 s1  }
0xc4: {  	[bflag:$0x3] =	sbarrier.arrive $0xFFFF  }
0xc5: {  	_ =	shalt  }

// kernel: sparse-core-data-format-call.cloned.1.call-start
scs
called_computation_lowered:
.L_overlay_start_0:
0x0: {  	s1 =	sld [smem:$0x3FD9]  }
0x1: {  	s2 =	sld [smem:$0x3FFE];
	_ =	sdelay $0x1  }
0x2: {  	s3 =	srdreg.scid  }
0x3: {  	s0 =	sand.u32 $0x1, s3  }
0x4: {  	s17 =	sshll.u32 s0, $0xA;
	s1 =	sadd.s32 s2, s1  }
0x5: {  	s1 =	sadd.s32 s1, s17  }
0x6: {  	[smem:$0x3FC2] =	sst s1  }
0x7: {  	_ = 	snop  }
0x8: {  	(tm) =	ssettm $0x1  }
0x9: {  	s18 =	sld [smem:$0x3FFB];
	_ =	sdelay $0x3  }
0xa: {  	_ =	strace s18  }
0xb: {  	s1 =	sld [smem:$0x3FFC];
	_ =	sdelay $0x3  }
0xc: {  	_ =	strace s1  }
0xd: {  	s1 =	sld [smem:$0x3FFD];
	_ =	sdelay $0x3  }
0xe: {  	_ =	strace s1  }
0xf: {  	_ =	strace $0x8FFFFFFF  }
0x10: {  	s19 =	sld [smem:$0x3FDB];
	_ =	sdelay $0x1  }
0x11: {  	s20 =	simm.s32 $_scs_section_size  }
0x12: {  	s4 =	simm.s32 $_size__tile_overlayer_lowered;
	s5 =	simm.s32 $_tile_overlayer_lowered  }
0x13: {  	s23 =	simm.s32 $0x1BFF;
	s22 =	sshll.u32 s5, $0x1;
	s1 =	sadd.s32 s20, s19  }
0x14: {  	s6 =	simm.s32 $0x0;
	s21 =	sshll.u32 s4, $0x1;
	s4 =	sadd.s32 s22, s1  }
0x15: {  	[timem:s6], [sflag:s23] =	dma.local [hbm:s4], s21  }
0x16: {  	_ =	swait.ge [sflag:s23], s21  }
0x17: {  	s2 =	ssub.s32 $0x0, s21;
	[sflag:s23] =	ssyncset.done $0x0  }
0x18: {  	[sflag:s23] =	ssyncadd.s32 s2;
	_ =	sdelay $0x1  }
0x19: {  	s24 =	simm.s32 $0x1B8B  }
0x1a: {  	_ =	swait.ge [sflag:s24], $0x1  }
0x1b: {  	[sflag:s24] =	ssyncset.done $0x0  }
0x1c: {  	s26 =	simm.s32 $0x1B8E;
	s25 =	sld [smem:$0x3FFE];
	[sflag:s24] =	ssyncadd.s32 $0xFFFFFFFF  }
0x1d: {  	s27 =	simm.s32 $execute0_lowered;
	[smem:$0x3FD2] =	sst s26  }
0x1e: {  	s4 =	sshll.u32 s27, $0x1;
	_ =	strace $0x80000046;
	[dreg:$0x1] =	wrdreg $0xFFFFFFFF  }
0x1f: {  	s28 =	simm.s32 $_size_execute0_lowered;
	s1 =	sadd.s32 s1, s4;
	[dreg:$0x0] =	wrdreg $0x0  }
0x20: {  	s4 =	sshll.u32 s28, $0x1;
	[dreg:$0x2] =	wrdreg s1  }
0x21: {  	[dreg:$0x3] =	wrdreg s4  }
0x22: {  	[dreg:$0x4] =	wrdreg $0xC0  }
0x23: {  	_ =	task [dreg:s6], $0x5FFFF  }
0x24: {  	[dreg:$0x1] =	wrdreg $0xFFFFFFFF  }
0x25: {  	[dreg:$0x0] =	wrdreg $0x60  }
0x26: {  	[dreg:$0x2] =	wrdreg s25  }
0x27: {  	[dreg:$0x3] =	wrdreg $0x9  }
0x28: {  	_ =	task.clear_ibuf [dreg:s6], $0x4FFFF;
	_ =	strace $0x90000046  }
0x29: {  	s29 =	simm.s32 $0x9;
	_ =	strace $0x80000048  }
0x2a: {  	_ =	swait.ge [sflag:s29], $0x1  }
0x2b: {  	[sflag:s29] =	ssyncadd.s32 $0xFFFFFFFF  }
0x2c: {  	_ =	strace $0x90000048  }
0x2d: {  	_ =	sfence  }
0x2e: {  	s30 =	sld [smem:$0x0];
	_ =	sdelay $0x2  }
0x2f: {  	s31 =	sshll.u32 s3, $0xD;
	s3 =	sshrl.u32 s3, $0x2  }
0x30: {  	s2 =	sand.u32 $0x4000, s31;
	s1 =	sadd.s32 s3, s30  }
0x31: {  	s0 =	sor.u32 s2, s0;
	s1 =	sshll.u32 s1, $0x11  }
0x32: {  	s0 =	sor.u32 s1, s0  }
0x33: {  	s0 =	sadd.s32 $0x8F2B, s0  }
0x34: {  	[sflag:s0] =	ssyncadd.remote.s32 $0x1  }
0x35: {  	_ =	sfence.sel $0xFFFF  }
0x36: {  	[dreg:$0x0] =	wrdreg $0xFFFFFFFF;
	(pc) =	sbr.abs _section_cstart, $3  }
0x37: {  	[dreg:$0x1] =	wrdreg $0xFFFFFFFF  }
0x38: {  	_ =	task.clear_ibuf [dreg:s6], $0x2FFFF;
	_ =	strace $0x9FFFFFFF  }
0x39: {  	(tm) =	ssettm $0x7FFFFFFF  }
tec
execute0_lowered:
.L_overlay_start_1:
0x0: {  	(tag) =	ssettag $0x1  }
0x1: {  	s0 =	srdreg.scid  }
0x2: {  	s1 =	sshll.u32 s0, $0x4  }
0x3: {  	s4 =	rddreg [dreg:$0x0];
	s0 =	stileid.u32;
	s1 =	sand.u32 $0x10, s1  }
0x4: {  	s7 =	simm.s32 $0x1;
	s8 =	simm.s32 $0x2;
	s1 =	sor.u32 s0, s1  }
0x5: {  	s9 =	simm.s32 $0x0;
	s12 =	simm.s32 $0x0;
	s2 =	sshll.u32 s1, $0x1  }
0x6: {  	s11 =	simm.s32 $0x0;
	s3 =	sadd.s32 $0x2C00, s4;
	s6 =	ssub.s32 $0x9C4, s2  }
.Ltmp0:
0x7: {  	s4 =	sadd.s32 $0x273C00, s4;
	s5 =	sand.u32 $0x3E, s6;
	(pc) =	sbr.rel .LBB1_1-.Ltmp0, $4  }
0x8: {  	s1 =	rddreg [dreg:$0x1];
	_ =	strace $0x80000047;
	p0 =	sne.s32 s5, $0x0  }
0x9: {  	s6 =	sshrl.u32 s6, $0x6;
	s5 =	simm.s32 $0x1;
	s7 =	simm.s32 @!p0 $0x0  }
0xa: {  	s10 =	smov.u32 s2;
	[sflag:s5] =	ssyncpa.u1 $0x0;
	s6 =	sadd.s32 s7, s6  }
0xb: {  	[sflag:s8] =	ssyncpa.u1 $0x0;
	s8 =	simm.s32 $0x0;
	s7 =	sadd.s32 $0x1, s6  }
.LBB1_9:
0xc: {  	s14 =	sadd.s32 $0x40, s10  }
0xd: {  	p1 =	sgt.s32 s14, $0x9C3  }
0xe: {  	s14 =	smov.u32 @p1 s2;
	p1 =	sne.s32 s11, s7  }
.Ltmp1:
0xf: {  	p0 =	slt.u32 s11, $0x2;
	(pc) =	sbr.rel @!p1 .LBB1_10-.Ltmp1, $4  }
0x10: {  	s13 =	simm.s32 @!p0 $0x2  }
0x11: {  	s15 =	sadd.s32 $0x1, s11;
	_ =	swait.ge @!p0 [sflag:s13], $0x4000  }
0x12: {  	s12 =	smov.u32 s10;
	s9 =	sadd.s32 $0x4000, s9;
	[sflag:s13] =	ssyncset.done @!p0 $0x0  }
0x13: {  	s11 =	smov.u32 s15;
	s10 =	smov.u32 s14;
	[sflag:s13] =	ssyncadd.s32 @!p0 $0xFFFFC000  }
.LBB1_1:
0x14: {  	p0 =	sge.u32 s11, s6  }
0x15: {  	s13 =	sxor.u32 @!p0 $0xFFFFFFFF, s11  }
0x16: {  	s31 =	sadd.s32 $0xFFFFFFFF, s11;
	s14 =	sshll.u32 @!p0 s10, $0xA;
	s13 =	sshll.u32 @!p0 s13, $0xE  }
0x17: {  	s15 =	simm.s32 @!p0 $0x0;
	s14 =	sadd.s32 @!p0 s3, s14;
	s13 =	sand.u32 @!p0 $0x4000, s13  }
0x18: {  	[tilespmem:s13], [sflag:$0x1] =	stream.linear.gather @!p0 [hbm4b:s14+s15], $0x4000, $0x38;
	[tilespmem:$0x10000] =	vst v63  }
0x19: {  	p0 =	sge.u32 s31, s6  }
.Ltmp2:
0x1a: {  	_ = 	snop;
	(pc) =	sbr.rel @p0 .LBB1_9-.Ltmp2, $1  }
0x1b: {  	_ =	sdelay $0x3  }
0x1c: {  	s13 =	sshll.u32 s9, $0x2  }
0x1d: {  	_ =	swait.ge [sflag:s5], $0x4000;
	s14 =	sshll.u32 s11, $0xE;
	s16 =	simm.s32 $0x0  }
0x1e: {  	p1 =	por $0x1, $0x1;
	s13 =	sand.u32 $0x10000, s13;
	[sflag:s5] =	ssyncset.done $0x0  }
0x1f: {  	s14 =	sand.u32 $0x4000, s14;
	s15 =	sshrl.u32 s13, $0x2;
	[sflag:s5] =	ssyncadd.s32 $0xFFFFC000  }
0x20: {  	s13 =	sor.u32 $0x8000, s14;
	s14 =	sadd.s32 $0x8040, s15;
	s15 =	sadd.s32 $0x40, s15  }
.LBB1_3:
0x21: {  	s16 =	sshll.u32 s16, $0x2  }
0x22: {  	p0 =	por p1, p1;
	s17 =	sshra.s32 s16, $0x2  }
0x23: {  	s18 =	simm.s32 $0x0;
	s16 =	sadd.s32 s17, s14;
	s17 =	sadd.s32 s17, s15  }
.LBB1_4:
0x24: {  	v0 =	vmov s17;
	_ =	sdelay $0x3  }
0x25: {  	s20 =	simm.s32 $0x0  }
0x26: {  	v6 =	vld.idx.msk [tilespmem:v0+s20+$0x30 ss:$0x1], $0xffff  }
0x27: {  	v7 =	vld.idx.msk [tilespmem:v0+s20+$0xFFFFFFC0 ss:$0x1], $0xffff  }
0x28: {  	v5 =	vld.idx.msk [tilespmem:v0+s20+$0xFFFFFFD0 ss:$0x1], $0xffff  }
0x29: {  	v4 =	vld.idx.msk [tilespmem:v0+s20+$0xFFFFFFE0 ss:$0x1], $0xffff  }
0x2a: {  	v3 =	vld.idx.msk [tilespmem:v0+s20+$0xFFFFFFF0 ss:$0x1], $0xffff  }
0x2b: {  	v1 =	vld.idx.msk [tilespmem:v0+s20+$0x0 ss:$0x1], $0xffff  }
0x2c: {  	v2 =	vld.idx.msk [tilespmem:v0+s20+$0x10 ss:$0x1], $0xffff;
	[tilespmem:s16+$0x30] =	vst v6  }
0x2d: {  	s19 =	simm.s32 $0x80;
	s21 =	simm.s32 $0x400;
	[tilespmem:s16+$0xFFFFFFC0] =	vst v7;
	v6 =	vld.idx.msk [tilespmem:v0+s20+$0x20 ss:$0x1], $0xffff;
	s20 =	smov.u32 s16  }
.LBB1_5:
0x2e: {  	p1 =	sne.s32 s21, $0xE00;
	v7 =	vld.idx.msk [tilespmem:v0+s19+$0x30 ss:$0x1], $0xffff;
	[tilespmem:s20+$0xFFFFFFD0] =	vst v5  }
0x2f: {  	v8 =	vld.idx.msk [tilespmem:v0+s19+$0xFFFFFFC0 ss:$0x1], $0xffff;
	[tilespmem:s20+$0xFFFFFFE0] =	vst v4  }
0x30: {  	v5 =	vld.idx.msk [tilespmem:v0+s19+$0xFFFFFFD0 ss:$0x1], $0xffff;
	[tilespmem:s20+$0xFFFFFFF0] =	vst v3  }
.Ltmp3:
0x31: {  	v4 =	vld.idx.msk [tilespmem:v0+s19+$0xFFFFFFE0 ss:$0x1], $0xffff;
	[tilespmem:s20+$0x0] =	vst v1;
	(pc) =	sbr.rel @p1 .LBB1_5-.Ltmp3, $4  }
0x32: {  	v3 =	vld.idx.msk [tilespmem:v0+s19+$0xFFFFFFF0 ss:$0x1], $0xffff;
	[tilespmem:s20+$0x10] =	vst v2  }
0x33: {  	v1 =	vld.idx.msk [tilespmem:v0+s19+$0x0 ss:$0x1], $0xffff;
	[tilespmem:s20+$0x20] =	vst v6;
	s20 =	sadd.s32 $0x400, s20  }
0x34: {  	v2 =	vld.idx.msk [tilespmem:v0+s19+$0x10 ss:$0x1], $0xffff;
	[tilespmem:s20+$0x30] =	vst v7  }
0x35: {  	[tilespmem:s20+$0xFFFFFFC0] =	vst v8;
	v6 =	vld.idx.msk [tilespmem:v0+s19+$0x20 ss:$0x1], $0xffff;
	s19 =	sshra.s32 s21, $0x2;
	s21 =	sadd.s32 $0x200, s21  }
0x36: {  	_ =	sdelay $0x2  }
0x37: {  	[tilespmem:s20+$0xFFFFFFD0] =	vst v5  }
0x38: {  	v56 =	vld.idx.msk [tilespmem:v0+s19+$0x30 ss:$0x1], $0xffff;
	[tilespmem:s20+$0xFFFFFFE0] =	vst v4  }
0x39: {  	v57 =	vld.idx.msk [tilespmem:v0+s19+$0xFFFFFFC0 ss:$0x1], $0xffff;
	[tilespmem:s20+$0xFFFFFFF0] =	vst v3  }
0x3a: {  	v58 =	vld.idx.msk [tilespmem:v0+s19+$0xFFFFFFD0 ss:$0x1], $0xffff;
	[tilespmem:s20+$0x0] =	vst v1  }
0x3b: {  	v59 =	vld.idx.msk [tilespmem:v0+s19+$0xFFFFFFE0 ss:$0x1], $0xffff;
	[tilespmem:s20+$0x10] =	vst v2  }
0x3c: {  	v60 =	vld.idx.msk [tilespmem:v0+s19+$0xFFFFFFF0 ss:$0x1], $0xffff;
	s31 =	sadd.s32 $0x400, s20;
	[tilespmem:s20+$0x20] =	vst v6  }
0x3d: {  	v61 =	vld.idx.msk [tilespmem:v0+s19+$0x0 ss:$0x1], $0xffff;
	[tilespmem:s31+$0x30] =	vst v56  }
0x3e: {  	v62 =	vld.idx.msk [tilespmem:v0+s19+$0x10 ss:$0x1], $0xffff;
	s18 =	sadd.s32 $0x1, s18;
	[tilespmem:s31+$0xFFFFFFC0] =	vst v57  }
0x3f: {  	v63 =	vld.idx.msk [tilespmem:v0+s19+$0x20 ss:$0x1], $0xffff;
	p1 =	sne.s32 s18, $0x8;
	[tilespmem:s31+$0xFFFFFFD0] =	vst v58  }
.Ltmp4:
0x40: {  	[tilespmem:s31+$0xFFFFFFE0] =	vst v59;
	(pc) =	sbr.rel @p1 .LBB1_4-.Ltmp4, $4  }
0x41: {  	[tilespmem:s31+$0xFFFFFFF0] =	vst v60  }
0x42: {  	[tilespmem:s31+$0x0] =	vst v61  }
0x43: {  	[tilespmem:s31+$0x10] =	vst v62  }
0x44: {  	s16 =	sadd.s32 $0x80, s16;
	s17 =	sadd.s32 $0x400, s17;
	[tilespmem:s31+$0x20] =	vst v63  }
.Ltmp5:
0x45: {  	(pc) =	sbr.rel @p0 .LBB1_3-.Ltmp5, $2  }
0x46: {  	_ =	sdelay $0x2  }
0x47: {  	s16 =	simm.s32 $0x2000;
	p1 =	por $0x0, $0x0  }
.Ltmp6:
0x48: {  	(pc) =	sbr.rel .LBB1_9-.Ltmp6, $4  }
0x49: {  	_ = 	snop  }
0x4a: {  	s12 =	sshll.u32 s12, $0xA  }
0x4b: {  	s12 =	sadd.s32 s4, s12  }
0x4c: {  	[hbm4b:s12+s8] =	stream.linear.scatter [tilespmem:s13], [sflag:$0x2], $0x4000, $0x38;
	[tilespmem:$0x10000] =	vst v63  }
.LBB1_10:
0x4d: {  	_ =	sfence.sel $0x180000  }
0x4e: {  	s2 =	simm.s32 $0x1;
	[bflag:$0x0] =	sbarrier.arrive $0xFFFF  }
0x4f: {  	s31 =	simm.s32 $0x2;
	[sflag:s2] =	ssyncpa.u1 $0x1  }
0x50: {  	[sflag:s31] =	ssyncpa.u1 $0x1  }
0x51: {  	p0 =	sne.s32 s0, $0x0;
	_ =	strace $0x90000047  }
0x52: {  	s0 =	sadd.s32 @!p0 $0x100000, s1;
	[bflag:$0x2] =	sbarrier.arrive $0xFFFF  }
0x53: {  	[sflag:s0] =	ssyncadd.tile.s32 @!p0 $0x1;
	_ =	shalt  }
.Lfunc_end1:
_tile_overlayer_lowered:
.L_overlay_start_2:
0x54: {  	(tag) =	ssettag $0x2  }
0x55: {  	s0 =	rddreg [dreg:$0x0];
	s2 =	stileid.u32  }
0x56: {  	s1 =	rddreg [dreg:$0x1];
	p0 =	sne.s32 s2, $0x0  }
0x57: {  	s3 =	rddreg [dreg:$0x2];
	[bflag:$0x3] =	sbarrier.arrive $0xFFFF;
	s2 =	simm.s32 @!p0 $0x1C01  }
0x58: {  	[timem:s3], [sflag:s2] =	dma.local @!p0 [hbm:s0], s1  }
0x59: {  	s0 =	simm.s32 @!p0 $0x1  }
0x5a: {  	_ =	swait.ge @!p0 [sflag:s0], s1  }
0x5b: {  	s1 =	ssub.s32 @!p0 $0x0, s1;
	[sflag:s0] =	ssyncset.done @!p0 $0x0  }
0x5c: {  	[sflag:s0] =	ssyncadd.s32 @!p0 s1  }
0x5d: {  	[bflag:$0x3] =	sbarrier.arrive $0xFFFF  }
0x5e: {  	_ =	shalt  }

</sc_bundles>
